<compile_context>
chip_gen: v7x
topology: tpu7x:2x2x1
jax: 0.10.2.dev20260603
libtpu: 0.0.44.dev20260713+nightly
codegen_flags: <defaults>
</compile_context>

<pallas_src>
import functools

import jax
import jax.numpy as jnp
import numpy as np
from jax import lax
from jax.experimental import pallas as pl
from jax.experimental.pallas import tpu as pltpu
from jax.experimental.pallas import tpu_sc as plsc

NC = 2
NS = 16
NW = NC * NS
CH = 128


def _round_up(a, b):
    return (a + b - 1) // b * b


def _deg_kernel(n_pad, k):
    mesh = plsc.VectorSubcoreMesh(core_axis_name="c", subcore_axis_name="s")

    @functools.partial(
        pl.kernel,
        out_type=jax.ShapeDtypeStruct((NW * n_pad,), jnp.float32),
        mesh=mesh,
        scratch_types=[
            pltpu.VMEM((k, CH), jnp.int32),
            pltpu.VMEM((n_pad,), jnp.float32),
        ],
        compiler_params=pltpu.CompilerParams(needs_layout_passes=False),
    )
    def deg_kernel(to_hbm, out_hbm, idx_v, deg_v):
        c = lax.axis_index("c")
        s = lax.axis_index("s")
        wid = c * NS + s
        pltpu.sync_copy(to_hbm.at[wid], idx_v)

        def zb(i, carry):
            deg_v[pl.ds(i * 16, 16)] = jnp.zeros((16,), jnp.float32)
            return carry

        lax.fori_loop(0, n_pad // 16, zb, 0)
        ones = jnp.ones((16,), jnp.float32)

        def body(j, carry):
            def q(qi, inner):
                ti = idx_v[j, pl.ds(qi * 16, 16)]
                plsc.addupdate_scatter(deg_v, [ti], ones)
                return inner
            return lax.fori_loop(0, CH // 16, q, carry)

        lax.fori_loop(0, k, body, 0)
        pltpu.sync_copy(deg_v, out_hbm.at[pl.ds(wid * n_pad, n_pad)])

    return deg_kernel


def _gather_scatter_kernel(n_pad, k, d):
    rpt = n_pad // NS
    mesh = plsc.VectorSubcoreMesh(core_axis_name="c", subcore_axis_name="s")

    @functools.partial(
        pl.kernel,
        out_type=jax.ShapeDtypeStruct((NC, n_pad, d), jnp.float32),
        mesh=mesh,
        scratch_types=[
            pltpu.VMEM((k // 2, CH), jnp.int32),
            pltpu.VMEM((k // 2, CH), jnp.int32),
            pltpu.VMEM((CH, d), jnp.float32),
            pltpu.VMEM((CH, d), jnp.float32),
            pltpu.VMEM_SHARED((n_pad, d), jnp.float32),
            pltpu.SemaphoreType.DMA,
            pltpu.SemaphoreType.DMA,
            pltpu.SemaphoreType.DMA,
            pltpu.SemaphoreType.DMA,
        ],
    )
    def gs_kernel(from_hbm, to_hbm, y_hbm, gout_hbm,
                  fidx_v, tidx_v, rows_a, rows_b, g_sh,
                  gsem_a, gsem_b, ssem_a, ssem_b):
        c = lax.axis_index("c")
        s = lax.axis_index("s")
        wid = c * NS + s

        def zr(i, carry):
            def zc(j, inner):
                rows_a[i, pl.ds(j * 16, 16)] = jnp.zeros((16,), jnp.float32)
                return inner
            return lax.fori_loop(0, d // 16, zc, carry)

        lax.fori_loop(0, CH, zr, 0)
        for q in range(rpt // CH):
            pltpu.sync_copy(rows_a, g_sh.at[pl.ds(s * rpt + q * CH, CH)])
        plsc.subcore_barrier()

        def fire_gather(j, rows, sem):
            pltpu.async_copy(y_hbm.at[fidx_v.at[j]], rows, sem)

        def wait_gather(j, rows, sem):
            pltpu.make_async_copy(y_hbm.at[fidx_v.at[j]], rows, sem).wait()

        def fire_scatter(j, rows, sem):
            pltpu.async_copy(rows, g_sh.at[tidx_v.at[j]], sem, add=True)

        def wait_scatter(j, rows, sem):
            pltpu.make_async_copy(rows, g_sh.at[tidx_v.at[j]], sem).wait()

        k2 = k // 2
        for h in range(2):
            pltpu.sync_copy(from_hbm.at[wid, pl.ds(h * k2, k2)], fidx_v)
            pltpu.sync_copy(to_hbm.at[wid, pl.ds(h * k2, k2)], tidx_v)
            fire_gather(0, rows_a, gsem_a)
            fire_gather(1, rows_b, gsem_b)

            def body(i, carry):
                a = 2 * i
                b = a + 1
                wait_gather(a, rows_a, gsem_a)
                fire_scatter(a, rows_a, ssem_a)
                wait_gather(b, rows_b, gsem_b)
                fire_scatter(b, rows_b, ssem_b)
                wait_scatter(a, rows_a, ssem_a)

                @pl.when(a + 2 < k2)
                def _():
                    fire_gather(a + 2, rows_a, gsem_a)

                wait_scatter(b, rows_b, ssem_b)

                @pl.when(b + 2 < k2)
                def _():
                    fire_gather(b + 2, rows_b, gsem_b)

                return carry

            lax.fori_loop(0, k2 // 2, body, 0)
        plsc.subcore_barrier()
        pltpu.sync_copy(g_sh.at[pl.ds(s * rpt, rpt)],
                        gout_hbm.at[c, pl.ds(s * rpt, rpt)])

    return gs_kernel


def _s_kernel(n_pad, k):
    mesh = plsc.VectorSubcoreMesh(core_axis_name="c", subcore_axis_name="s")

    @functools.partial(
        pl.kernel,
        out_type=jax.ShapeDtypeStruct((NW * n_pad,), jnp.float32),
        mesh=mesh,
        scratch_types=[
            pltpu.VMEM((k, CH), jnp.int32),
            pltpu.VMEM((k, CH), jnp.int32),
            pltpu.VMEM((n_pad,), jnp.float32),
            pltpu.VMEM((n_pad,), jnp.float32),
        ],
        compiler_params=pltpu.CompilerParams(needs_layout_passes=False),
    )
    def s_kernel(from_hbm, to_hbm, dinv_hbm, out_hbm,
                 fidx_v, tidx_v, dinv_v, s_v):
        c = lax.axis_index("c")
        s = lax.axis_index("s")
        wid = c * NS + s
        pltpu.sync_copy(from_hbm.at[wid], fidx_v)
        pltpu.sync_copy(to_hbm.at[wid], tidx_v)
        pltpu.sync_copy(dinv_hbm, dinv_v)

        def zb(i, carry):
            s_v[pl.ds(i * 16, 16)] = jnp.zeros((16,), jnp.float32)
            return carry

        lax.fori_loop(0, n_pad // 16, zb, 0)

        def body(j, carry):
            def q(qi, inner):
                fi = fidx_v[j, pl.ds(qi * 16, 16)]
                ti = tidx_v[j, pl.ds(qi * 16, 16)]
                dv = plsc.load_gather(dinv_v, [fi])
                plsc.addupdate_scatter(s_v, [ti], dv)
                return inner
            return lax.fori_loop(0, CH // 16, q, carry)

        lax.fori_loop(0, k, body, 0)
        pltpu.sync_copy(s_v, out_hbm.at[pl.ds(wid * n_pad, n_pad)])

    return s_kernel


def _build_y_kernel(n, n_pad, d, blk):

    def body(dp_ref, x_ref, y_ref, di_ref):
        deg = jnp.sum(dp_ref[...], axis=1, keepdims=True)
        deg_inv = jnp.where(deg > 0.0, lax.rsqrt(jnp.maximum(deg, 1.0e-12)), 0.0)
        y_ref[...] = x_ref[...] * deg_inv
        di_ref[...] = deg_inv

    grid = n // blk
    return pl.pallas_call(
        body,
        grid=(grid,),
        in_specs=[
            pl.BlockSpec((blk, NW), lambda i: (i, 0)),
            pl.BlockSpec((blk, d), lambda i: (i, 0)),
        ],
        out_specs=[
            pl.BlockSpec((blk, d), lambda i: (i, 0)),
            pl.BlockSpec((blk, 1), lambda i: (i, 0)),
        ],
        out_shape=[
            jax.ShapeDtypeStruct((n_pad, d), jnp.float32),
            jax.ShapeDtypeStruct((n_pad, 1), jnp.float32),
        ],
    )


def _final_kernel(n, d, blk):

    def body(dp_ref, sp_ref, x_ref, g_ref, wt_ref, b_ref, o_ref):
        deg = jnp.sum(dp_ref[...], axis=1, keepdims=True)
        deg_inv = jnp.where(deg > 0.0, lax.rsqrt(jnp.maximum(deg, 1.0e-12)), 0.0)
        g = g_ref[0] + g_ref[1]
        sv = jnp.sum(sp_ref[...], axis=1, keepdims=True)
        x = x_ref[...]
        t = x * g
        lin = jnp.dot(t, wt_ref[...], preferred_element_type=jnp.float32,
                      precision=lax.Precision.HIGHEST)
        u = sv * (x + b_ref[...]) + lin
        v = deg_inv * u
        o_ref[...] = jnp.where(v >= 0.0, v, 0.01 * v)

    grid = n // blk
    return pl.pallas_call(
        body,
        grid=(grid,),
        in_specs=[
            pl.BlockSpec((blk, NW), lambda i: (i, 0)),
            pl.BlockSpec((blk, NW), lambda i: (i, 0)),
            pl.BlockSpec((blk, d), lambda i: (i, 0)),
            pl.BlockSpec((NC, blk, d), lambda i: (0, i, 0)),
            pl.BlockSpec((d, d), lambda i: (0, 0)),
            pl.BlockSpec((1, d), lambda i: (0, 0)),
        ],
        out_specs=pl.BlockSpec((blk, d), lambda i: (i, 0)),
        out_shape=jax.ShapeDtypeStruct((n, d), jnp.float32),
    )


def kernel(x, edge_index, edge_attrs, W1_w, W1_b):
    n, d = x.shape
    e = edge_index.shape[1]

    k = _round_up(_round_up(e, NW * CH) // (NW * CH), 4)
    e_pad = NW * k * CH
    n_pad = _round_up(n + 1, NS * CH)

    from_ = edge_index[0].astype(jnp.int32)
    to_ = edge_index[1].astype(jnp.int32)
    padv = jnp.asarray(n + np.arange(e_pad - e, dtype=np.int32) % (n_pad - n))
    from_t = jnp.concatenate([from_, padv]).reshape(NW, k, CH)
    to_t = jnp.concatenate([to_, padv]).reshape(NW, k, CH)

    blk = 0
    for cand in range(min(2048, n), 7, -1):
        if n % cand == 0 and cand % 8 == 0:
            blk = cand
            break
    if blk == 0:
        n_eff = n_pad
        x_eff = jnp.pad(x, ((0, n_pad - n), (0, 0)))
        blk = n_pad // 16
    else:
        n_eff = n
        x_eff = x

    deg_parts = _deg_kernel(n_pad, k)(to_t).reshape(NW, n_pad)
    dp_t = deg_parts.T

    y, dinv = _build_y_kernel(n_eff, n_pad, d, blk)(dp_t, x_eff)
    dinv1 = dinv.reshape(n_pad)

    g_parts = _gather_scatter_kernel(n_pad, k, d)(from_t, to_t, y)
    s_parts = _s_kernel(n_pad, k)(from_t, to_t, dinv1)
    sp_t = s_parts.reshape(NW, n_pad).T

    wt = W1_w.T
    b2 = W1_b.reshape(1, d)
    out = _final_kernel(n_eff, d, blk)(dp_t, sp_t, x_eff, g_parts, wt, b2)
    return out[:n]

# --- scband reference (transcript-rebuilt; emitter-appended) ---
"""Pipeline reference for scband-ngcfconv-18202071400768 (READ-ONLY COPY).

The authoritative reference and input builder live on the scoring server;
editing this copy changes nothing except your own understanding.
"""

import jax, jax.numpy as jnp
import numpy as np

N = 10000
E = 320000
D = 128


def setup_inputs(seed: int = 0) -> dict:
    key = jax.random.key(seed)
    k1, k2, k3, k4, k5 = jax.random.split(key, 5)
    x = jax.random.normal(k1, (N, D), dtype=jnp.float32)
    edge_index = jax.random.randint(k2, (2, E), 0, N).astype(jnp.int64)
    edge_attrs = jax.random.normal(k3, (E, 4), dtype=jnp.float32)
    # xavier_uniform for W1 weight: a = sqrt(6/(fan_in+fan_out))
    a = float(np.sqrt(6.0 / (D + D)))
    W1_w = jax.random.uniform(k4, (D, D), minval=-a, maxval=a, dtype=jnp.float32)
    # torch Linear bias default: uniform(-1/sqrt(fan_in), 1/sqrt(fan_in))
    b = float(1.0 / np.sqrt(D))
    W1_b = jax.random.uniform(k5, (D,), minval=-b, maxval=b, dtype=jnp.float32)
    return {"x": x, "edge_index": edge_index, "edge_attrs": edge_attrs, "W1_w": W1_w, "W1_b": W1_b}


def reference(x, edge_index, edge_attrs, W1_w, W1_b):
    from_ = edge_index[0]
    to_ = edge_index[1]
    x_i = jnp.take(x, from_, axis=0)
    x_j = jnp.take(x, to_, axis=0)
    # degree of destination nodes
    deg = jnp.zeros((x.shape[0],), dtype=jnp.float32).at[to_].add(1.0)
    deg = jnp.sqrt(deg)
    deg_inv = jnp.where(deg > 0.0, 1.0 / jnp.where(deg > 0.0, deg, 1.0), 0.0)
    norm = (jnp.take(deg_inv, from_) * jnp.take(deg_inv, to_))[:, None]
    lin = (x_j * x_i) @ W1_w.T + W1_b
    m_j = norm * (x_j + lin)
    output = jnp.zeros_like(x).at[to_].add(m_j)
    output = jax.nn.leaky_relu(output, negative_slope=0.01)
    # dropout p=0.0 in eval mode -> identity
    return output

if __name__ == "__main__":
    import jax
    _d = setup_inputs()
    print(jax.jit(kernel)(*tuple(_d.values())))

</pallas_src>

<mosaic_0001>
#map = affine_map<(d0, d1) -> (0, 0, 0)>
#map1 = affine_map<(d0, d1) -> (0)>
module attributes {stable_mosaic.version = 14 : i64} {
  func.func @deg_kernel(%arg0: i32, %arg1: i32, %arg2: memref<32x80x128xi32, #tpu.memory_space<hbm>>, %arg3: memref<327680xf32, #tpu.memory_space<hbm>>, %arg4: memref<80x128xi32, #tpu.memory_space<vmem>>, %arg5: memref<10240xf32, #tpu.memory_space<vmem>>) attributes {dimension_semantics = [#tpu.dimension_semantics<core_parallel>, #tpu.dimension_semantics<subcore_parallel>], iteration_bounds = array<i64: 2, 16>, scalar_prefetch = 0 : i64, scratch_operands = 2 : i64, tpu.core_type = #tpu.core_type<sc_vector_subcore>, window_params = [{transform_indices = #map}, {transform_indices = #map1}]} {
    %mul3A = arith.constant 16 : i32
    %mul3A_0 = arith.muli %arg0, %mul3A : i32
    %add3A = arith.addi %mul3A_0, %arg1 : i32
    "tpu.region"() ({
      %run_scoped3A = tpu.sem_alloc : memref<!tpu.dma_semaphore, #tpu.memory_space<semaphore_mem>>
      %dma_start3A = arith.constant 0 : i32
      %dma_start3A_15 = arith.constant 0 : i32
      %dma_start3A_16 = tpu.memref_slice %arg2[%add3A, %dma_start3A, %dma_start3A_15] : memref<32x80x128xi32, #tpu.memory_space<hbm>> -> memref<1x80x128xi32, #tpu.memory_space<hbm>>
      %dma_start3A_17 = tpu.memref_squeeze %dma_start3A_16 : memref<1x80x128xi32, #tpu.memory_space<hbm>> -> memref<80x128xi32, #tpu.memory_space<hbm>>
      %dma_start3A_18 = arith.constant 0 : i32
      %dma_start3A_19 = arith.constant 0 : i32
      %dma_start3A_20 = tpu.memref_slice %arg2[%add3A, %dma_start3A_18, %dma_start3A_19] : memref<32x80x128xi32, #tpu.memory_space<hbm>> -> memref<1x80x128xi32, #tpu.memory_space<hbm>>
      %dma_start3A_21 = tpu.memref_squeeze %dma_start3A_20 : memref<1x80x128xi32, #tpu.memory_space<hbm>> -> memref<80x128xi32, #tpu.memory_space<hbm>>
      tpu.enqueue_dma source(%dma_start3A_21 : memref<80x128xi32, #tpu.memory_space<hbm>>) target(%arg4 : memref<80x128xi32, #tpu.memory_space<vmem>>) target_semaphore(%run_scoped3A : memref<!tpu.dma_semaphore, #tpu.memory_space<semaphore_mem>>)
      %dma_wait3A = arith.constant 0 : i32
      %dma_wait3A_22 = arith.constant 0 : i32
      %dma_wait3A_23 = tpu.memref_slice %arg2[%add3A, %dma_wait3A, %dma_wait3A_22] : memref<32x80x128xi32, #tpu.memory_space<hbm>> -> memref<1x80x128xi32, #tpu.memory_space<hbm>>
      %dma_wait3A_24 = tpu.memref_squeeze %dma_wait3A_23 : memref<1x80x128xi32, #tpu.memory_space<hbm>> -> memref<80x128xi32, #tpu.memory_space<hbm>>
      %dma_wait3A_25 = arith.constant 0 : i32
      %dma_wait3A_26 = arith.constant 0 : i32
      %dma_wait3A_27 = tpu.memref_slice %arg2[%add3A, %dma_wait3A_25, %dma_wait3A_26] : memref<32x80x128xi32, #tpu.memory_space<hbm>> -> memref<1x80x128xi32, #tpu.memory_space<hbm>>
      %dma_wait3A_28 = tpu.memref_squeeze %dma_wait3A_27 : memref<1x80x128xi32, #tpu.memory_space<hbm>> -> memref<80x128xi32, #tpu.memory_space<hbm>>
      tpu.wait_dma2 semaphore(%run_scoped3A : memref<!tpu.dma_semaphore, #tpu.memory_space<semaphore_mem>>) src(%dma_wait3A_28 : memref<80x128xi32, #tpu.memory_space<hbm>>) dst(%arg4 : memref<80x128xi32, #tpu.memory_space<vmem>>)
      tpu.yield
    }) : () -> ()
    %scan3A = arith.constant 0 : i32
    %scan3A_1 = arith.constant 0 : i32
    %scan3A_2 = arith.constant 640 : i32
    %scan3A_3 = arith.addi %scan3A_1, %scan3A_2 : i32
    %scan3A_4 = arith.constant 1 : i32
    scf.for %scan3A_15 = %scan3A_1 to %scan3A_3 step %scan3A_4  : i32 {
      %broadcast_in_dim3A_16 = arith.constant 0.000000e+00 : f32
      %broadcast_in_dim3A_17 = vector.broadcast %broadcast_in_dim3A_16 : f32 to vector<16xf32>
      %mul3A_18 = arith.constant 16 : i32
      %mul3A_19 = arith.muli %scan3A_15, %mul3A_18 : i32
      %swap3A = arith.index_cast %mul3A_19 : i32 to index
      %swap3A_20 = tpu.vector_load %arg5[%swap3A] {strides = array<i32>} : memref<10240xf32, #tpu.memory_space<vmem>>, vector<16xf32>,
      tpu.vector_store %arg5[%swap3A], %broadcast_in_dim3A_17 {strides = array<i32>} : memref<10240xf32, #tpu.memory_space<vmem>>, vector<16xf32>,
    }
    %scan3A_5 = arith.constant 640 : i32
    %broadcast_in_dim3A = arith.constant 1.000000e+00 : f32
    %broadcast_in_dim3A_6 = vector.broadcast %broadcast_in_dim3A : f32 to vector<16xf32>
    %scan3A_7 = arith.constant 0 : i32
    %scan3A_8 = arith.constant 0 : i32
    %scan3A_9 = arith.constant 80 : i32
    %scan3A_10 = arith.addi %scan3A_8, %scan3A_9 : i32
    %scan3A_11 = arith.constant 1 : i32
    scf.for %scan3A_15 = %scan3A_8 to %scan3A_10 step %scan3A_11  : i32 {
      %scan3A_16 = arith.constant 0 : i32
      %scan3A_17 = arith.constant 8 : i32
      %scan3A_18 = arith.addi %scan3A_16, %scan3A_17 : i32
      %scan3A_19 = arith.constant 1 : i32
      scf.for %scan3A_21 = %scan3A_16 to %scan3A_18 step %scan3A_19  : i32 {
        %mul3A_22 = arith.constant 16 : i32
        %mul3A_23 = arith.muli %scan3A_21, %mul3A_22 : i32
        %get3A = arith.index_cast %scan3A_15 : i32 to index
        %get3A_24 = arith.index_cast %mul3A_23 : i32 to index
        %get3A_25 = tpu.vector_load %arg4[%get3A, %get3A_24] {strides = array<i32>} : memref<80x128xi32, #tpu.memory_space<vmem>>, vector<16xi32>,
        tpu.vector_store_idx %arg5[%get3A_25], %broadcast_in_dim3A_6 {add = true} : memref<10240xf32, #tpu.memory_space<vmem>>[vector<16xi32>], vector<16xf32>,
      }
      %scan3A_20 = arith.constant 8 : i32
    }
    %scan3A_12 = arith.constant 80 : i32
    %mul3A_13 = arith.constant 10240 : i32
    %mul3A_14 = arith.muli %add3A, %mul3A_13 : i32
    "tpu.region"() ({
      %run_scoped3A = tpu.sem_alloc : memref<!tpu.dma_semaphore, #tpu.memory_space<semaphore_mem>>
      %dma_start3A = tpu.memref_slice %arg3[%mul3A_14] : memref<327680xf32, #tpu.memory_space<hbm>> -> memref<10240xf32, #tpu.memory_space<hbm>>
      %dma_start3A_15 = tpu.memref_slice %arg3[%mul3A_14] : memref<327680xf32, #tpu.memory_space<hbm>> -> memref<10240xf32, #tpu.memory_space<hbm>>
      tpu.enqueue_dma source(%arg5 : memref<10240xf32, #tpu.memory_space<vmem>>) target(%dma_start3A_15 : memref<10240xf32, #tpu.memory_space<hbm>>) target_semaphore(%run_scoped3A : memref<!tpu.dma_semaphore, #tpu.memory_space<semaphore_mem>>)
      %dma_wait3A = tpu.memref_slice %arg3[%mul3A_14] : memref<327680xf32, #tpu.memory_space<hbm>> -> memref<10240xf32, #tpu.memory_space<hbm>>
      %dma_wait3A_16 = tpu.memref_slice %arg3[%mul3A_14] : memref<327680xf32, #tpu.memory_space<hbm>> -> memref<10240xf32, #tpu.memory_space<hbm>>
      tpu.wait_dma2 semaphore(%run_scoped3A : memref<!tpu.dma_semaphore, #tpu.memory_space<semaphore_mem>>) src(%arg5 : memref<10240xf32, #tpu.memory_space<vmem>>) dst(%dma_wait3A_16 : memref<10240xf32, #tpu.memory_space<hbm>>)
      tpu.yield
    }) : () -> ()
    return
  }
}

#map = affine_map<(d0, d1) -> (0, 0, 0)>
#map1 = affine_map<(d0, d1) -> (0, 0)>
module attributes {stable_mosaic.version = 14 : i64} {
  func.func @gs_kernel(%arg0: i32, %arg1: i32, %arg2: memref<32x80x128xi32, #tpu.memory_space<hbm>>, %arg3: memref<32x80x128xi32, #tpu.memory_space<hbm>>, %arg4: memref<10240x128xf32, #tpu.memory_space<hbm>>, %arg5: memref<2x10240x128xf32, #tpu.memory_space<hbm>>, %arg6: memref<40x128xi32, #tpu.memory_space<vmem>>, %arg7: memref<40x128xi32, #tpu.memory_space<vmem>>, %arg8: memref<128x128xf32, #tpu.memory_space<vmem>>, %arg9: memref<128x128xf32, #tpu.memory_space<vmem>>, %arg10: memref<10240x128xf32, #tpu.memory_space<vmem_shared>>, %arg11: memref<!tpu.dma_semaphore, #tpu.memory_space<semaphore_mem>>, %arg12: memref<!tpu.dma_semaphore, #tpu.memory_space<semaphore_mem>>, %arg13: memref<!tpu.dma_semaphore, #tpu.memory_space<semaphore_mem>>, %arg14: memref<!tpu.dma_semaphore, #tpu.memory_space<semaphore_mem>>) attributes {dimension_semantics = [#tpu.dimension_semantics<core_parallel>, #tpu.dimension_semantics<subcore_parallel>], iteration_bounds = array<i64: 2, 16>, scalar_prefetch = 0 : i64, scratch_operands = 9 : i64, tpu.core_type = #tpu.core_type<sc_vector_subcore>, window_params = [{transform_indices = #map}, {transform_indices = #map}, {transform_indices = #map1}, {transform_indices = #map}]} {
    %mul3A = arith.constant 16 : i32
    %mul3A_0 = arith.muli %arg0, %mul3A : i32
    %add3A = arith.addi %mul3A_0, %arg1 : i32
    %scan3A = arith.constant 0 : i32
    %scan3A_1 = arith.constant 0 : i32
    %scan3A_2 = arith.constant 128 : i32
    %scan3A_3 = arith.addi %scan3A_1, %scan3A_2 : i32
    %scan3A_4 = arith.constant 1 : i32
    scf.for %scan3A_70 = %scan3A_1 to %scan3A_3 step %scan3A_4  : i32 {
      %scan3A_71 = arith.constant 0 : i32
      %scan3A_72 = arith.constant 8 : i32
      %scan3A_73 = arith.addi %scan3A_71, %scan3A_72 : i32
      %scan3A_74 = arith.constant 1 : i32
      scf.for %scan3A_76 = %scan3A_71 to %scan3A_73 step %scan3A_74  : i32 {
        %broadcast_in_dim3A = arith.constant 0.000000e+00 : f32
        %broadcast_in_dim3A_77 = vector.broadcast %broadcast_in_dim3A : f32 to vector<16xf32>
        %mul3A_78 = arith.constant 16 : i32
        %mul3A_79 = arith.muli %scan3A_76, %mul3A_78 : i32
        %swap3A = arith.index_cast %scan3A_70 : i32 to index
        %swap3A_80 = arith.index_cast %mul3A_79 : i32 to index
        %swap3A_81 = tpu.vector_load %arg8[%swap3A, %swap3A_80] {strides = array<i32>} : memref<128x128xf32, #tpu.memory_space<vmem>>, vector<1x16xf32>,
        %swap3A_82 = vector.shape_cast %swap3A_81 : vector<1x16xf32> to vector<16xf32>
        %swap3A_83 = vector.shape_cast %broadcast_in_dim3A_77 : vector<16xf32> to vector<1x16xf32>
        tpu.vector_store %arg8[%swap3A, %swap3A_80], %swap3A_83 {strides = array<i32>} : memref<128x128xf32, #tpu.memory_space<vmem>>, vector<1x16xf32>,
      }
      %scan3A_75 = arith.constant 8 : i32
    }
    %scan3A_5 = arith.constant 128 : i32
    %mul3A_6 = arith.constant 640 : i32
    %mul3A_7 = arith.muli %arg1, %mul3A_6 : i32
    %add3A_8 = arith.constant 0 : i32
    %add3A_9 = arith.addi %mul3A_7, %add3A_8 : i32
    "tpu.region"() ({
      %run_scoped3A = tpu.sem_alloc : memref<!tpu.dma_semaphore, #tpu.memory_space<semaphore_mem>>
      %dma_start3A_70 = arith.constant 0 : i32
      %dma_start3A_71 = tpu.memref_slice %arg10[%add3A_9, %dma_start3A_70] : memref<10240x128xf32, #tpu.memory_space<vmem_shared>> -> memref<128x128xf32, #tpu.memory_space<vmem_shared>>
      %dma_start3A_72 = arith.constant 0 : i32
      %dma_start3A_73 = tpu.memref_slice %arg10[%add3A_9, %dma_start3A_72] : memref<10240x128xf32, #tpu.memory_space<vmem_shared>> -> memref<128x128xf32, #tpu.memory_space<vmem_shared>>
      tpu.enqueue_dma source(%arg8 : memref<128x128xf32, #tpu.memory_space<vmem>>) target(%dma_start3A_73 : memref<128x128xf32, #tpu.memory_space<vmem_shared>>) target_semaphore(%run_scoped3A : memref<!tpu.dma_semaphore, #tpu.memory_space<semaphore_mem>>)
      %dma_wait3A = arith.constant 0 : i32
      %dma_wait3A_74 = tpu.memref_slice %arg10[%add3A_9, %dma_wait3A] : memref<10240x128xf32, #tpu.memory_space<vmem_shared>> -> memref<128x128xf32, #tpu.memory_space<vmem_shared>>
      %dma_wait3A_75 = arith.constant 0 : i32
      %dma_wait3A_76 = tpu.memref_slice %arg10[%add3A_9, %dma_wait3A_75] : memref<10240x128xf32, #tpu.memory_space<vmem_shared>> -> memref<128x128xf32, #tpu.memory_space<vmem_shared>>
      tpu.wait_dma2 semaphore(%run_scoped3A : memref<!tpu.dma_semaphore, #tpu.memory_space<semaphore_mem>>) src(%arg8 : memref<128x128xf32, #tpu.memory_space<vmem>>) dst(%dma_wait3A_76 : memref<128x128xf32, #tpu.memory_space<vmem_shared>>)
      tpu.yield
    }) : () -> ()
    %mul3A_10 = arith.constant 640 : i32
    %mul3A_11 = arith.muli %arg1, %mul3A_10 : i32
    %add3A_12 = arith.constant 128 : i32
    %add3A_13 = arith.addi %mul3A_11, %add3A_12 : i32
    "tpu.region"() ({
      %run_scoped3A = tpu.sem_alloc : memref<!tpu.dma_semaphore, #tpu.memory_space<semaphore_mem>>
      %dma_start3A_70 = arith.constant 0 : i32
      %dma_start3A_71 = tpu.memref_slice %arg10[%add3A_13, %dma_start3A_70] : memref<10240x128xf32, #tpu.memory_space<vmem_shared>> -> memref<128x128xf32, #tpu.memory_space<vmem_shared>>
      %dma_start3A_72 = arith.constant 0 : i32
      %dma_start3A_73 = tpu.memref_slice %arg10[%add3A_13, %dma_start3A_72] : memref<10240x128xf32, #tpu.memory_space<vmem_shared>> -> memref<128x128xf32, #tpu.memory_space<vmem_shared>>
      tpu.enqueue_dma source(%arg8 : memref<128x128xf32, #tpu.memory_space<vmem>>) target(%dma_start3A_73 : memref<128x128xf32, #tpu.memory_space<vmem_shared>>) target_semaphore(%run_scoped3A : memref<!tpu.dma_semaphore, #tpu.memory_space<semaphore_mem>>)
      %dma_wait3A = arith.constant 0 : i32
      %dma_wait3A_74 = tpu.memref_slice %arg10[%add3A_13, %dma_wait3A] : memref<10240x128xf32, #tpu.memory_space<vmem_shared>> -> memref<128x128xf32, #tpu.memory_space<vmem_shared>>
      %dma_wait3A_75 = arith.constant 0 : i32
      %dma_wait3A_76 = tpu.memref_slice %arg10[%add3A_13, %dma_wait3A_75] : memref<10240x128xf32, #tpu.memory_space<vmem_shared>> -> memref<128x128xf32, #tpu.memory_space<vmem_shared>>
      tpu.wait_dma2 semaphore(%run_scoped3A : memref<!tpu.dma_semaphore, #tpu.memory_space<semaphore_mem>>) src(%arg8 : memref<128x128xf32, #tpu.memory_space<vmem>>) dst(%dma_wait3A_76 : memref<128x128xf32, #tpu.memory_space<vmem_shared>>)
      tpu.yield
    }) : () -> ()
    %mul3A_14 = arith.constant 640 : i32
    %mul3A_15 = arith.muli %arg1, %mul3A_14 : i32
    %add3A_16 = arith.constant 256 : i32
    %add3A_17 = arith.addi %mul3A_15, %add3A_16 : i32
    "tpu.region"() ({
      %run_scoped3A = tpu.sem_alloc : memref<!tpu.dma_semaphore, #tpu.memory_space<semaphore_mem>>
      %dma_start3A_70 = arith.constant 0 : i32
      %dma_start3A_71 = tpu.memref_slice %arg10[%add3A_17, %dma_start3A_70] : memref<10240x128xf32, #tpu.memory_space<vmem_shared>> -> memref<128x128xf32, #tpu.memory_space<vmem_shared>>
      %dma_start3A_72 = arith.constant 0 : i32
      %dma_start3A_73 = tpu.memref_slice %arg10[%add3A_17, %dma_start3A_72] : memref<10240x128xf32, #tpu.memory_space<vmem_shared>> -> memref<128x128xf32, #tpu.memory_space<vmem_shared>>
      tpu.enqueue_dma source(%arg8 : memref<128x128xf32, #tpu.memory_space<vmem>>) target(%dma_start3A_73 : memref<128x128xf32, #tpu.memory_space<vmem_shared>>) target_semaphore(%run_scoped3A : memref<!tpu.dma_semaphore, #tpu.memory_space<semaphore_mem>>)
      %dma_wait3A = arith.constant 0 : i32
      %dma_wait3A_74 = tpu.memref_slice %arg10[%add3A_17, %dma_wait3A] : memref<10240x128xf32, #tpu.memory_space<vmem_shared>> -> memref<128x128xf32, #tpu.memory_space<vmem_shared>>
      %dma_wait3A_75 = arith.constant 0 : i32
      %dma_wait3A_76 = tpu.memref_slice %arg10[%add3A_17, %dma_wait3A_75] : memref<10240x128xf32, #tpu.memory_space<vmem_shared>> -> memref<128x128xf32, #tpu.memory_space<vmem_shared>>
      tpu.wait_dma2 semaphore(%run_scoped3A : memref<!tpu.dma_semaphore, #tpu.memory_space<semaphore_mem>>) src(%arg8 : memref<128x128xf32, #tpu.memory_space<vmem>>) dst(%dma_wait3A_76 : memref<128x128xf32, #tpu.memory_space<vmem_shared>>)
      tpu.yield
    }) : () -> ()
    %mul3A_18 = arith.constant 640 : i32
    %mul3A_19 = arith.muli %arg1, %mul3A_18 : i32
    %add3A_20 = arith.constant 384 : i32
    %add3A_21 = arith.addi %mul3A_19, %add3A_20 : i32
    "tpu.region"() ({
      %run_scoped3A = tpu.sem_alloc : memref<!tpu.dma_semaphore, #tpu.memory_space<semaphore_mem>>
      %dma_start3A_70 = arith.constant 0 : i32
      %dma_start3A_71 = tpu.memref_slice %arg10[%add3A_21, %dma_start3A_70] : memref<10240x128xf32, #tpu.memory_space<vmem_shared>> -> memref<128x128xf32, #tpu.memory_space<vmem_shared>>
      %dma_start3A_72 = arith.constant 0 : i32
      %dma_start3A_73 = tpu.memref_slice %arg10[%add3A_21, %dma_start3A_72] : memref<10240x128xf32, #tpu.memory_space<vmem_shared>> -> memref<128x128xf32, #tpu.memory_space<vmem_shared>>
      tpu.enqueue_dma source(%arg8 : memref<128x128xf32, #tpu.memory_space<vmem>>) target(%dma_start3A_73 : memref<128x128xf32, #tpu.memory_space<vmem_shared>>) target_semaphore(%run_scoped3A : memref<!tpu.dma_semaphore, #tpu.memory_space<semaphore_mem>>)
      %dma_wait3A = arith.constant 0 : i32
      %dma_wait3A_74 = tpu.memref_slice %arg10[%add3A_21, %dma_wait3A] : memref<10240x128xf32, #tpu.memory_space<vmem_shared>> -> memref<128x128xf32, #tpu.memory_space<vmem_shared>>
      %dma_wait3A_75 = arith.constant 0 : i32
      %dma_wait3A_76 = tpu.memref_slice %arg10[%add3A_21, %dma_wait3A_75] : memref<10240x128xf32, #tpu.memory_space<vmem_shared>> -> memref<128x128xf32, #tpu.memory_space<vmem_shared>>
      tpu.wait_dma2 semaphore(%run_scoped3A : memref<!tpu.dma_semaphore, #tpu.memory_space<semaphore_mem>>) src(%arg8 : memref<128x128xf32, #tpu.memory_space<vmem>>) dst(%dma_wait3A_76 : memref<128x128xf32, #tpu.memory_space<vmem_shared>>)
      tpu.yield
    }) : () -> ()
    %mul3A_22 = arith.constant 640 : i32
    %mul3A_23 = arith.muli %arg1, %mul3A_22 : i32
    %add3A_24 = arith.constant 512 : i32
    %add3A_25 = arith.addi %mul3A_23, %add3A_24 : i32
    "tpu.region"() ({
      %run_scoped3A = tpu.sem_alloc : memref<!tpu.dma_semaphore, #tpu.memory_space<semaphore_mem>>
      %dma_start3A_70 = arith.constant 0 : i32
      %dma_start3A_71 = tpu.memref_slice %arg10[%add3A_25, %dma_start3A_70] : memref<10240x128xf32, #tpu.memory_space<vmem_shared>> -> memref<128x128xf32, #tpu.memory_space<vmem_shared>>
      %dma_start3A_72 = arith.constant 0 : i32
      %dma_start3A_73 = tpu.memref_slice %arg10[%add3A_25, %dma_start3A_72] : memref<10240x128xf32, #tpu.memory_space<vmem_shared>> -> memref<128x128xf32, #tpu.memory_space<vmem_shared>>
      tpu.enqueue_dma source(%arg8 : memref<128x128xf32, #tpu.memory_space<vmem>>) target(%dma_start3A_73 : memref<128x128xf32, #tpu.memory_space<vmem_shared>>) target_semaphore(%run_scoped3A : memref<!tpu.dma_semaphore, #tpu.memory_space<semaphore_mem>>)
      %dma_wait3A = arith.constant 0 : i32
      %dma_wait3A_74 = tpu.memref_slice %arg10[%add3A_25, %dma_wait3A] : memref<10240x128xf32, #tpu.memory_space<vmem_shared>> -> memref<128x128xf32, #tpu.memory_space<vmem_shared>>
      %dma_wait3A_75 = arith.constant 0 : i32
      %dma_wait3A_76 = tpu.memref_slice %arg10[%add3A_25, %dma_wait3A_75] : memref<10240x128xf32, #tpu.memory_space<vmem_shared>> -> memref<128x128xf32, #tpu.memory_space<vmem_shared>>
      tpu.wait_dma2 semaphore(%run_scoped3A : memref<!tpu.dma_semaphore, #tpu.memory_space<semaphore_mem>>) src(%arg8 : memref<128x128xf32, #tpu.memory_space<vmem>>) dst(%dma_wait3A_76 : memref<128x128xf32, #tpu.memory_space<vmem_shared>>)
      tpu.yield
    }) : () -> ()
    %barrier3A = arith.constant 0 : index
    tpu.barrier barrier_id(%barrier3A)
    "tpu.region"() ({
      %run_scoped3A = tpu.sem_alloc : memref<!tpu.dma_semaphore, #tpu.memory_space<semaphore_mem>>
      %dma_start3A_70 = arith.constant 0 : i32
      %dma_start3A_71 = arith.constant 0 : i32
      %dma_start3A_72 = tpu.memref_slice %arg2[%add3A, %dma_start3A_70, %dma_start3A_71] : memref<32x80x128xi32, #tpu.memory_space<hbm>> -> memref<1x40x128xi32, #tpu.memory_space<hbm>>
      %dma_start3A_73 = tpu.memref_squeeze %dma_start3A_72 : memref<1x40x128xi32, #tpu.memory_space<hbm>> -> memref<40x128xi32, #tpu.memory_space<hbm>>
      %dma_start3A_74 = arith.constant 0 : i32
      %dma_start3A_75 = arith.constant 0 : i32
      %dma_start3A_76 = tpu.memref_slice %arg2[%add3A, %dma_start3A_74, %dma_start3A_75] : memref<32x80x128xi32, #tpu.memory_space<hbm>> -> memref<1x40x128xi32, #tpu.memory_space<hbm>>
      %dma_start3A_77 = tpu.memref_squeeze %dma_start3A_76 : memref<1x40x128xi32, #tpu.memory_space<hbm>> -> memref<40x128xi32, #tpu.memory_space<hbm>>
      tpu.enqueue_dma source(%dma_start3A_77 : memref<40x128xi32, #tpu.memory_space<hbm>>) target(%arg6 : memref<40x128xi32, #tpu.memory_space<vmem>>) target_semaphore(%run_scoped3A : memref<!tpu.dma_semaphore, #tpu.memory_space<semaphore_mem>>)
      %dma_wait3A = arith.constant 0 : i32
      %dma_wait3A_78 = arith.constant 0 : i32
      %dma_wait3A_79 = tpu.memref_slice %arg2[%add3A, %dma_wait3A, %dma_wait3A_78] : memref<32x80x128xi32, #tpu.memory_space<hbm>> -> memref<1x40x128xi32, #tpu.memory_space<hbm>>
      %dma_wait3A_80 = tpu.memref_squeeze %dma_wait3A_79 : memref<1x40x128xi32, #tpu.memory_space<hbm>> -> memref<40x128xi32, #tpu.memory_space<hbm>>
      %dma_wait3A_81 = arith.constant 0 : i32
      %dma_wait3A_82 = arith.constant 0 : i32
      %dma_wait3A_83 = tpu.memref_slice %arg2[%add3A, %dma_wait3A_81, %dma_wait3A_82] : memref<32x80x128xi32, #tpu.memory_space<hbm>> -> memref<1x40x128xi32, #tpu.memory_space<hbm>>
      %dma_wait3A_84 = tpu.memref_squeeze %dma_wait3A_83 : memref<1x40x128xi32, #tpu.memory_space<hbm>> -> memref<40x128xi32, #tpu.memory_space<hbm>>
      tpu.wait_dma2 semaphore(%run_scoped3A : memref<!tpu.dma_semaphore, #tpu.memory_space<semaphore_mem>>) src(%dma_wait3A_84 : memref<40x128xi32, #tpu.memory_space<hbm>>) dst(%arg6 : memref<40x128xi32, #tpu.memory_space<vmem>>)
      tpu.yield
    }) : () -> ()
    "tpu.region"() ({
      %run_scoped3A = tpu.sem_alloc : memref<!tpu.dma_semaphore, #tpu.memory_space<semaphore_mem>>
      %dma_start3A_70 = arith.constant 0 : i32
      %dma_start3A_71 = arith.constant 0 : i32
      %dma_start3A_72 = tpu.memref_slice %arg3[%add3A, %dma_start3A_70, %dma_start3A_71] : memref<32x80x128xi32, #tpu.memory_space<hbm>> -> memref<1x40x128xi32, #tpu.memory_space<hbm>>
      %dma_start3A_73 = tpu.memref_squeeze %dma_start3A_72 : memref<1x40x128xi32, #tpu.memory_space<hbm>> -> memref<40x128xi32, #tpu.memory_space<hbm>>
      %dma_start3A_74 = arith.constant 0 : i32
      %dma_start3A_75 = arith.constant 0 : i32
      %dma_start3A_76 = tpu.memref_slice %arg3[%add3A, %dma_start3A_74, %dma_start3A_75] : memref<32x80x128xi32, #tpu.memory_space<hbm>> -> memref<1x40x128xi32, #tpu.memory_space<hbm>>
      %dma_start3A_77 = tpu.memref_squeeze %dma_start3A_76 : memref<1x40x128xi32, #tpu.memory_space<hbm>> -> memref<40x128xi32, #tpu.memory_space<hbm>>
      tpu.enqueue_dma source(%dma_start3A_77 : memref<40x128xi32, #tpu.memory_space<hbm>>) target(%arg7 : memref<40x128xi32, #tpu.memory_space<vmem>>) target_semaphore(%run_scoped3A : memref<!tpu.dma_semaphore, #tpu.memory_space<semaphore_mem>>)
      %dma_wait3A = arith.constant 0 : i32
      %dma_wait3A_78 = arith.constant 0 : i32
      %dma_wait3A_79 = tpu.memref_slice %arg3[%add3A, %dma_wait3A, %dma_wait3A_78] : memref<32x80x128xi32, #tpu.memory_space<hbm>> -> memref<1x40x128xi32, #tpu.memory_space<hbm>>
      %dma_wait3A_80 = tpu.memref_squeeze %dma_wait3A_79 : memref<1x40x128xi32, #tpu.memory_space<hbm>> -> memref<40x128xi32, #tpu.memory_space<hbm>>
      %dma_wait3A_81 = arith.constant 0 : i32
      %dma_wait3A_82 = arith.constant 0 : i32
      %dma_wait3A_83 = tpu.memref_slice %arg3[%add3A, %dma_wait3A_81, %dma_wait3A_82] : memref<32x80x128xi32, #tpu.memory_space<hbm>> -> memref<1x40x128xi32, #tpu.memory_space<hbm>>
      %dma_wait3A_84 = tpu.memref_squeeze %dma_wait3A_83 : memref<1x40x128xi32, #tpu.memory_space<hbm>> -> memref<40x128xi32, #tpu.memory_space<hbm>>
      tpu.wait_dma2 semaphore(%run_scoped3A : memref<!tpu.dma_semaphore, #tpu.memory_space<semaphore_mem>>) src(%dma_wait3A_84 : memref<40x128xi32, #tpu.memory_space<hbm>>) dst(%arg7 : memref<40x128xi32, #tpu.memory_space<vmem>>)
      tpu.yield
    }) : () -> ()
    %dma_start3A = arith.constant 0 : i32
    %dma_start3A_26 = arith.constant 0 : i32
    %dma_start3A_27 = tpu.memref_slice %arg6[%dma_start3A, %dma_start3A_26] : memref<40x128xi32, #tpu.memory_space<vmem>> -> memref<1x128xi32, #tpu.memory_space<vmem>>
    %dma_start3A_28 = tpu.memref_squeeze %dma_start3A_27 : memref<1x128xi32, #tpu.memory_space<vmem>> -> memref<128xi32, #tpu.memory_space<vmem>>
    %dma_start3A_29 = arith.constant 0 : i32
    %dma_start3A_30 = arith.constant 0 : i32
    %dma_start3A_31 = tpu.memref_slice %arg4[%dma_start3A_29, %dma_start3A_30] : memref<10240x128xf32, #tpu.memory_space<hbm>> -> memref<10240x128xf32, #tpu.memory_space<hbm>>
    tpu.enqueue_indirect_dma source(%dma_start3A_31 : memref<10240x128xf32, #tpu.memory_space<hbm>>) target(%arg8 : memref<128x128xf32, #tpu.memory_space<vmem>>) offsets(%dma_start3A_28 : memref<128xi32, #tpu.memory_space<vmem>>) semaphore(%arg11 : memref<!tpu.dma_semaphore, #tpu.memory_space<semaphore_mem>>)
    %dma_start3A_32 = arith.constant 1 : i32
    %dma_start3A_33 = arith.constant 0 : i32
    %dma_start3A_34 = tpu.memref_slice %arg6[%dma_start3A_32, %dma_start3A_33] : memref<40x128xi32, #tpu.memory_space<vmem>> -> memref<1x128xi32, #tpu.memory_space<vmem>>
    %dma_start3A_35 = tpu.memref_squeeze %dma_start3A_34 : memref<1x128xi32, #tpu.memory_space<vmem>> -> memref<128xi32, #tpu.memory_space<vmem>>
    %dma_start3A_36 = arith.constant 0 : i32
    %dma_start3A_37 = arith.constant 0 : i32
    %dma_start3A_38 = tpu.memref_slice %arg4[%dma_start3A_36, %dma_start3A_37] : memref<10240x128xf32, #tpu.memory_space<hbm>> -> memref<10240x128xf32, #tpu.memory_space<hbm>>
    tpu.enqueue_indirect_dma source(%dma_start3A_38 : memref<10240x128xf32, #tpu.memory_space<hbm>>) target(%arg9 : memref<128x128xf32, #tpu.memory_space<vmem>>) offsets(%dma_start3A_35 : memref<128xi32, #tpu.memory_space<vmem>>) semaphore(%arg12 : memref<!tpu.dma_semaphore, #tpu.memory_space<semaphore_mem>>)
    %scan3A_39 = arith.constant 0 : i32
    %scan3A_40 = arith.constant 0 : i32
    %scan3A_41 = arith.constant 20 : i32
    %scan3A_42 = arith.addi %scan3A_40, %scan3A_41 : i32
    %scan3A_43 = arith.constant 1 : i32
    scf.for %scan3A_70 = %scan3A_40 to %scan3A_42 step %scan3A_43  : i32 {
      %mul3A_71 = arith.constant 2 : i32
      %mul3A_72 = arith.muli %mul3A_71, %scan3A_70 : i32
      %add3A_73 = arith.constant 1 : i32
      %add3A_74 = arith.addi %mul3A_72, %add3A_73 : i32
      %dma_wait3A = arith.constant 0 : i32
      %dma_wait3A_75 = tpu.memref_slice %arg6[%mul3A_72, %dma_wait3A] : memref<40x128xi32, #tpu.memory_space<vmem>> -> memref<1x128xi32, #tpu.memory_space<vmem>>
      %dma_wait3A_76 = tpu.memref_squeeze %dma_wait3A_75 : memref<1x128xi32, #tpu.memory_space<vmem>> -> memref<128xi32, #tpu.memory_space<vmem>>
      %dma_wait3A_77 = arith.constant 0 : i32
      %dma_wait3A_78 = arith.constant 0 : i32
      %dma_wait3A_79 = tpu.memref_slice %arg4[%dma_wait3A_77, %dma_wait3A_78] : memref<10240x128xf32, #tpu.memory_space<hbm>> -> memref<10240x128xf32, #tpu.memory_space<hbm>>
      tpu.wait_indirect_dma semaphore(%arg11 : memref<!tpu.dma_semaphore, #tpu.memory_space<semaphore_mem>>) src(%dma_wait3A_79 : memref<10240x128xf32, #tpu.memory_space<hbm>>) dst(%arg8 : memref<128x128xf32, #tpu.memory_space<vmem>>)
      %dma_start3A_80 = arith.constant 0 : i32
      %dma_start3A_81 = tpu.memref_slice %arg7[%mul3A_72, %dma_start3A_80] : memref<40x128xi32, #tpu.memory_space<vmem>> -> memref<1x128xi32, #tpu.memory_space<vmem>>
      %dma_start3A_82 = tpu.memref_squeeze %dma_start3A_81 : memref<1x128xi32, #tpu.memory_space<vmem>> -> memref<128xi32, #tpu.memory_space<vmem>>
      %dma_start3A_83 = arith.constant 0 : i32
      %dma_start3A_84 = arith.constant 0 : i32
      %dma_start3A_85 = tpu.memref_slice %arg10[%dma_start3A_83, %dma_start3A_84] : memref<10240x128xf32, #tpu.memory_space<vmem_shared>> -> memref<10240x128xf32, #tpu.memory_space<vmem_shared>>
      tpu.enqueue_indirect_dma source(%arg8 : memref<128x128xf32, #tpu.memory_space<vmem>>) target(%dma_start3A_85 : memref<10240x128xf32, #tpu.memory_space<vmem_shared>>) offsets(%dma_start3A_82 : memref<128xi32, #tpu.memory_space<vmem>>) semaphore(%arg13 : memref<!tpu.dma_semaphore, #tpu.memory_space<semaphore_mem>>) {add = true}
      %dma_wait3A_86 = arith.constant 0 : i32
      %dma_wait3A_87 = tpu.memref_slice %arg6[%add3A_74, %dma_wait3A_86] : memref<40x128xi32, #tpu.memory_space<vmem>> -> memref<1x128xi32, #tpu.memory_space<vmem>>
      %dma_wait3A_88 = tpu.memref_squeeze %dma_wait3A_87 : memref<1x128xi32, #tpu.memory_space<vmem>> -> memref<128xi32, #tpu.memory_space<vmem>>
      %dma_wait3A_89 = arith.constant 0 : i32
      %dma_wait3A_90 = arith.constant 0 : i32
      %dma_wait3A_91 = tpu.memref_slice %arg4[%dma_wait3A_89, %dma_wait3A_90] : memref<10240x128xf32, #tpu.memory_space<hbm>> -> memref<10240x128xf32, #tpu.memory_space<hbm>>
      tpu.wait_indirect_dma semaphore(%arg12 : memref<!tpu.dma_semaphore, #tpu.memory_space<semaphore_mem>>) src(%dma_wait3A_91 : memref<10240x128xf32, #tpu.memory_space<hbm>>) dst(%arg9 : memref<128x128xf32, #tpu.memory_space<vmem>>)
      %dma_start3A_92 = arith.constant 0 : i32
      %dma_start3A_93 = tpu.memref_slice %arg7[%add3A_74, %dma_start3A_92] : memref<40x128xi32, #tpu.memory_space<vmem>> -> memref<1x128xi32, #tpu.memory_space<vmem>>
      %dma_start3A_94 = tpu.memref_squeeze %dma_start3A_93 : memref<1x128xi32, #tpu.memory_space<vmem>> -> memref<128xi32, #tpu.memory_space<vmem>>
      %dma_start3A_95 = arith.constant 0 : i32
      %dma_start3A_96 = arith.constant 0 : i32
      %dma_start3A_97 = tpu.memref_slice %arg10[%dma_start3A_95, %dma_start3A_96] : memref<10240x128xf32, #tpu.memory_space<vmem_shared>> -> memref<10240x128xf32, #tpu.memory_space<vmem_shared>>
      tpu.enqueue_indirect_dma source(%arg9 : memref<128x128xf32, #tpu.memory_space<vmem>>) target(%dma_start3A_97 : memref<10240x128xf32, #tpu.memory_space<vmem_shared>>) offsets(%dma_start3A_94 : memref<128xi32, #tpu.memory_space<vmem>>) semaphore(%arg14 : memref<!tpu.dma_semaphore, #tpu.memory_space<semaphore_mem>>) {add = true}
      %dma_wait3A_98 = arith.constant 0 : i32
      %dma_wait3A_99 = tpu.memref_slice %arg7[%mul3A_72, %dma_wait3A_98] : memref<40x128xi32, #tpu.memory_space<vmem>> -> memref<1x128xi32, #tpu.memory_space<vmem>>
      %dma_wait3A_100 = tpu.memref_squeeze %dma_wait3A_99 : memref<1x128xi32, #tpu.memory_space<vmem>> -> memref<128xi32, #tpu.memory_space<vmem>>
      %dma_wait3A_101 = arith.constant 0 : i32
      %dma_wait3A_102 = arith.constant 0 : i32
      %dma_wait3A_103 = tpu.memref_slice %arg10[%dma_wait3A_101, %dma_wait3A_102] : memref<10240x128xf32, #tpu.memory_space<vmem_shared>> -> memref<10240x128xf32, #tpu.memory_space<vmem_shared>>
      tpu.wait_indirect_dma semaphore(%arg13 : memref<!tpu.dma_semaphore, #tpu.memory_space<semaphore_mem>>) src(%arg8 : memref<128x128xf32, #tpu.memory_space<vmem>>) dst(%dma_wait3A_103 : memref<10240x128xf32, #tpu.memory_space<vmem_shared>>)
      %add3A_104 = arith.constant 2 : i32
      %add3A_105 = arith.addi %mul3A_72, %add3A_104 : i32
      %lt3A = arith.constant 40 : i32
      %lt3A_106 = arith.cmpi slt, %add3A_105, %lt3A : i32
      %convert_element_type3A = arith.extui %lt3A_106 : i1 to i32
      %cond3A = arith.constant 0 : i32
      %cond3A_107 = arith.cmpi ne, %convert_element_type3A, %cond3A : i32
      scf.if %cond3A_107 {
        %add3A_121 = arith.constant 2 : i32
        %add3A_122 = arith.addi %mul3A_72, %add3A_121 : i32
        %dma_start3A_123 = arith.constant 0 : i32
        %dma_start3A_124 = tpu.memref_slice %arg6[%add3A_122, %dma_start3A_123] : memref<40x128xi32, #tpu.memory_space<vmem>> -> memref<1x128xi32, #tpu.memory_space<vmem>>
        %dma_start3A_125 = tpu.memref_squeeze %dma_start3A_124 : memref<1x128xi32, #tpu.memory_space<vmem>> -> memref<128xi32, #tpu.memory_space<vmem>>
        %dma_start3A_126 = arith.constant 0 : i32
        %dma_start3A_127 = arith.constant 0 : i32
        %dma_start3A_128 = tpu.memref_slice %arg4[%dma_start3A_126, %dma_start3A_127] : memref<10240x128xf32, #tpu.memory_space<hbm>> -> memref<10240x128xf32, #tpu.memory_space<hbm>>
        tpu.enqueue_indirect_dma source(%dma_start3A_128 : memref<10240x128xf32, #tpu.memory_space<hbm>>) target(%arg8 : memref<128x128xf32, #tpu.memory_space<vmem>>) offsets(%dma_start3A_125 : memref<128xi32, #tpu.memory_space<vmem>>) semaphore(%arg11 : memref<!tpu.dma_semaphore, #tpu.memory_space<semaphore_mem>>)
      } else {
      }
      %dma_wait3A_108 = arith.constant 0 : i32
      %dma_wait3A_109 = tpu.memref_slice %arg7[%add3A_74, %dma_wait3A_108] : memref<40x128xi32, #tpu.memory_space<vmem>> -> memref<1x128xi32, #tpu.memory_space<vmem>>
      %dma_wait3A_110 = tpu.memref_squeeze %dma_wait3A_109 : memref<1x128xi32, #tpu.memory_space<vmem>> -> memref<128xi32, #tpu.memory_space<vmem>>
      %dma_wait3A_111 = arith.constant 0 : i32
      %dma_wait3A_112 = arith.constant 0 : i32
      %dma_wait3A_113 = tpu.memref_slice %arg10[%dma_wait3A_111, %dma_wait3A_112] : memref<10240x128xf32, #tpu.memory_space<vmem_shared>> -> memref<10240x128xf32, #tpu.memory_space<vmem_shared>>
      tpu.wait_indirect_dma semaphore(%arg14 : memref<!tpu.dma_semaphore, #tpu.memory_space<semaphore_mem>>) src(%arg9 : memref<128x128xf32, #tpu.memory_space<vmem>>) dst(%dma_wait3A_113 : memref<10240x128xf32, #tpu.memory_space<vmem_shared>>)
      %add3A_114 = arith.constant 2 : i32
      %add3A_115 = arith.addi %add3A_74, %add3A_114 : i32
      %lt3A_116 = arith.constant 40 : i32
      %lt3A_117 = arith.cmpi slt, %add3A_115, %lt3A_116 : i32
      %convert_element_type3A_118 = arith.extui %lt3A_117 : i1 to i32
      %cond3A_119 = arith.constant 0 : i32
      %cond3A_120 = arith.cmpi ne, %convert_element_type3A_118, %cond3A_119 : i32
      scf.if %cond3A_120 {
        %add3A_121 = arith.constant 2 : i32
        %add3A_122 = arith.addi %add3A_74, %add3A_121 : i32
        %dma_start3A_123 = arith.constant 0 : i32
        %dma_start3A_124 = tpu.memref_slice %arg6[%add3A_122, %dma_start3A_123] : memref<40x128xi32, #tpu.memory_space<vmem>> -> memref<1x128xi32, #tpu.memory_space<vmem>>
        %dma_start3A_125 = tpu.memref_squeeze %dma_start3A_124 : memref<1x128xi32, #tpu.memory_space<vmem>> -> memref<128xi32, #tpu.memory_space<vmem>>
        %dma_start3A_126 = arith.constant 0 : i32
        %dma_start3A_127 = arith.constant 0 : i32
        %dma_start3A_128 = tpu.memref_slice %arg4[%dma_start3A_126, %dma_start3A_127] : memref<10240x128xf32, #tpu.memory_space<hbm>> -> memref<10240x128xf32, #tpu.memory_space<hbm>>
        tpu.enqueue_indirect_dma source(%dma_start3A_128 : memref<10240x128xf32, #tpu.memory_space<hbm>>) target(%arg9 : memref<128x128xf32, #tpu.memory_space<vmem>>) offsets(%dma_start3A_125 : memref<128xi32, #tpu.memory_space<vmem>>) semaphore(%arg12 : memref<!tpu.dma_semaphore, #tpu.memory_space<semaphore_mem>>)
      } else {
      }
    }
    %scan3A_44 = arith.constant 20 : i32
    "tpu.region"() ({
      %run_scoped3A = tpu.sem_alloc : memref<!tpu.dma_semaphore, #tpu.memory_space<semaphore_mem>>
      %dma_start3A_70 = arith.constant 40 : i32
      %dma_start3A_71 = arith.constant 0 : i32
      %dma_start3A_72 = tpu.memref_slice %arg2[%add3A, %dma_start3A_70, %dma_start3A_71] : memref<32x80x128xi32, #tpu.memory_space<hbm>> -> memref<1x40x128xi32, #tpu.memory_space<hbm>>
      %dma_start3A_73 = tpu.memref_squeeze %dma_start3A_72 : memref<1x40x128xi32, #tpu.memory_space<hbm>> -> memref<40x128xi32, #tpu.memory_space<hbm>>
      %dma_start3A_74 = arith.constant 40 : i32
      %dma_start3A_75 = arith.constant 0 : i32
      %dma_start3A_76 = tpu.memref_slice %arg2[%add3A, %dma_start3A_74, %dma_start3A_75] : memref<32x80x128xi32, #tpu.memory_space<hbm>> -> memref<1x40x128xi32, #tpu.memory_space<hbm>>
      %dma_start3A_77 = tpu.memref_squeeze %dma_start3A_76 : memref<1x40x128xi32, #tpu.memory_space<hbm>> -> memref<40x128xi32, #tpu.memory_space<hbm>>
      tpu.enqueue_dma source(%dma_start3A_77 : memref<40x128xi32, #tpu.memory_space<hbm>>) target(%arg6 : memref<40x128xi32, #tpu.memory_space<vmem>>) target_semaphore(%run_scoped3A : memref<!tpu.dma_semaphore, #tpu.memory_space<semaphore_mem>>)
      %dma_wait3A = arith.constant 40 : i32
      %dma_wait3A_78 = arith.constant 0 : i32
      %dma_wait3A_79 = tpu.memref_slice %arg2[%add3A, %dma_wait3A, %dma_wait3A_78] : memref<32x80x128xi32, #tpu.memory_space<hbm>> -> memref<1x40x128xi32, #tpu.memory_space<hbm>>
      %dma_wait3A_80 = tpu.memref_squeeze %dma_wait3A_79 : memref<1x40x128xi32, #tpu.memory_space<hbm>> -> memref<40x128xi32, #tpu.memory_space<hbm>>
      %dma_wait3A_81 = arith.constant 40 : i32
      %dma_wait3A_82 = arith.constant 0 : i32
      %dma_wait3A_83 = tpu.memref_slice %arg2[%add3A, %dma_wait3A_81, %dma_wait3A_82] : memref<32x80x128xi32, #tpu.memory_space<hbm>> -> memref<1x40x128xi32, #tpu.memory_space<hbm>>
      %dma_wait3A_84 = tpu.memref_squeeze %dma_wait3A_83 : memref<1x40x128xi32, #tpu.memory_space<hbm>> -> memref<40x128xi32, #tpu.memory_space<hbm>>
      tpu.wait_dma2 semaphore(%run_scoped3A : memref<!tpu.dma_semaphore, #tpu.memory_space<semaphore_mem>>) src(%dma_wait3A_84 : memref<40x128xi32, #tpu.memory_space<hbm>>) dst(%arg6 : memref<40x128xi32, #tpu.memory_space<vmem>>)
      tpu.yield
    }) : () -> ()
    "tpu.region"() ({
      %run_scoped3A = tpu.sem_alloc : memref<!tpu.dma_semaphore, #tpu.memory_space<semaphore_mem>>
      %dma_start3A_70 = arith.constant 40 : i32
      %dma_start3A_71 = arith.constant 0 : i32
      %dma_start3A_72 = tpu.memref_slice %arg3[%add3A, %dma_start3A_70, %dma_start3A_71] : memref<32x80x128xi32, #tpu.memory_space<hbm>> -> memref<1x40x128xi32, #tpu.memory_space<hbm>>
      %dma_start3A_73 = tpu.memref_squeeze %dma_start3A_72 : memref<1x40x128xi32, #tpu.memory_space<hbm>> -> memref<40x128xi32, #tpu.memory_space<hbm>>
      %dma_start3A_74 = arith.constant 40 : i32
      %dma_start3A_75 = arith.constant 0 : i32
      %dma_start3A_76 = tpu.memref_slice %arg3[%add3A, %dma_start3A_74, %dma_start3A_75] : memref<32x80x128xi32, #tpu.memory_space<hbm>> -> memref<1x40x128xi32, #tpu.memory_space<hbm>>
      %dma_start3A_77 = tpu.memref_squeeze %dma_start3A_76 : memref<1x40x128xi32, #tpu.memory_space<hbm>> -> memref<40x128xi32, #tpu.memory_space<hbm>>
      tpu.enqueue_dma source(%dma_start3A_77 : memref<40x128xi32, #tpu.memory_space<hbm>>) target(%arg7 : memref<40x128xi32, #tpu.memory_space<vmem>>) target_semaphore(%run_scoped3A : memref<!tpu.dma_semaphore, #tpu.memory_space<semaphore_mem>>)
      %dma_wait3A = arith.constant 40 : i32
      %dma_wait3A_78 = arith.constant 0 : i32
      %dma_wait3A_79 = tpu.memref_slice %arg3[%add3A, %dma_wait3A, %dma_wait3A_78] : memref<32x80x128xi32, #tpu.memory_space<hbm>> -> memref<1x40x128xi32, #tpu.memory_space<hbm>>
      %dma_wait3A_80 = tpu.memref_squeeze %dma_wait3A_79 : memref<1x40x128xi32, #tpu.memory_space<hbm>> -> memref<40x128xi32, #tpu.memory_space<hbm>>
      %dma_wait3A_81 = arith.constant 40 : i32
      %dma_wait3A_82 = arith.constant 0 : i32
      %dma_wait3A_83 = tpu.memref_slice %arg3[%add3A, %dma_wait3A_81, %dma_wait3A_82] : memref<32x80x128xi32, #tpu.memory_space<hbm>> -> memref<1x40x128xi32, #tpu.memory_space<hbm>>
      %dma_wait3A_84 = tpu.memref_squeeze %dma_wait3A_83 : memref<1x40x128xi32, #tpu.memory_space<hbm>> -> memref<40x128xi32, #tpu.memory_space<hbm>>
      tpu.wait_dma2 semaphore(%run_scoped3A : memref<!tpu.dma_semaphore, #tpu.memory_space<semaphore_mem>>) src(%dma_wait3A_84 : memref<40x128xi32, #tpu.memory_space<hbm>>) dst(%arg7 : memref<40x128xi32, #tpu.memory_space<vmem>>)
      tpu.yield
    }) : () -> ()
    %dma_start3A_45 = arith.constant 0 : i32
    %dma_start3A_46 = arith.constant 0 : i32
    %dma_start3A_47 = tpu.memref_slice %arg6[%dma_start3A_45, %dma_start3A_46] : memref<40x128xi32, #tpu.memory_space<vmem>> -> memref<1x128xi32, #tpu.memory_space<vmem>>
    %dma_start3A_48 = tpu.memref_squeeze %dma_start3A_47 : memref<1x128xi32, #tpu.memory_space<vmem>> -> memref<128xi32, #tpu.memory_space<vmem>>
    %dma_start3A_49 = arith.constant 0 : i32
    %dma_start3A_50 = arith.constant 0 : i32
    %dma_start3A_51 = tpu.memref_slice %arg4[%dma_start3A_49, %dma_start3A_50] : memref<10240x128xf32, #tpu.memory_space<hbm>> -> memref<10240x128xf32, #tpu.memory_space<hbm>>
    tpu.enqueue_indirect_dma source(%dma_start3A_51 : memref<10240x128xf32, #tpu.memory_space<hbm>>) target(%arg8 : memref<128x128xf32, #tpu.memory_space<vmem>>) offsets(%dma_start3A_48 : memref<128xi32, #tpu.memory_space<vmem>>) semaphore(%arg11 : memref<!tpu.dma_semaphore, #tpu.memory_space<semaphore_mem>>)
    %dma_start3A_52 = arith.constant 1 : i32
    %dma_start3A_53 = arith.constant 0 : i32
    %dma_start3A_54 = tpu.memref_slice %arg6[%dma_start3A_52, %dma_start3A_53] : memref<40x128xi32, #tpu.memory_space<vmem>> -> memref<1x128xi32, #tpu.memory_space<vmem>>
    %dma_start3A_55 = tpu.memref_squeeze %dma_start3A_54 : memref<1x128xi32, #tpu.memory_space<vmem>> -> memref<128xi32, #tpu.memory_space<vmem>>
    %dma_start3A_56 = arith.constant 0 : i32
    %dma_start3A_57 = arith.constant 0 : i32
    %dma_start3A_58 = tpu.memref_slice %arg4[%dma_start3A_56, %dma_start3A_57] : memref<10240x128xf32, #tpu.memory_space<hbm>> -> memref<10240x128xf32, #tpu.memory_space<hbm>>
    tpu.enqueue_indirect_dma source(%dma_start3A_58 : memref<10240x128xf32, #tpu.memory_space<hbm>>) target(%arg9 : memref<128x128xf32, #tpu.memory_space<vmem>>) offsets(%dma_start3A_55 : memref<128xi32, #tpu.memory_space<vmem>>) semaphore(%arg12 : memref<!tpu.dma_semaphore, #tpu.memory_space<semaphore_mem>>)
    %scan3A_59 = arith.constant 0 : i32
    %scan3A_60 = arith.constant 0 : i32
    %scan3A_61 = arith.constant 20 : i32
    %scan3A_62 = arith.addi %scan3A_60, %scan3A_61 : i32
    %scan3A_63 = arith.constant 1 : i32
    scf.for %scan3A_70 = %scan3A_60 to %scan3A_62 step %scan3A_63  : i32 {
      %mul3A_71 = arith.constant 2 : i32
      %mul3A_72 = arith.muli %mul3A_71, %scan3A_70 : i32
      %add3A_73 = arith.constant 1 : i32
      %add3A_74 = arith.addi %mul3A_72, %add3A_73 : i32
      %dma_wait3A = arith.constant 0 : i32
      %dma_wait3A_75 = tpu.memref_slice %arg6[%mul3A_72, %dma_wait3A] : memref<40x128xi32, #tpu.memory_space<vmem>> -> memref<1x128xi32, #tpu.memory_space<vmem>>
      %dma_wait3A_76 = tpu.memref_squeeze %dma_wait3A_75 : memref<1x128xi32, #tpu.memory_space<vmem>> -> memref<128xi32, #tpu.memory_space<vmem>>
      %dma_wait3A_77 = arith.constant 0 : i32
      %dma_wait3A_78 = arith.constant 0 : i32
      %dma_wait3A_79 = tpu.memref_slice %arg4[%dma_wait3A_77, %dma_wait3A_78] : memref<10240x128xf32, #tpu.memory_space<hbm>> -> memref<10240x128xf32, #tpu.memory_space<hbm>>
      tpu.wait_indirect_dma semaphore(%arg11 : memref<!tpu.dma_semaphore, #tpu.memory_space<semaphore_mem>>) src(%dma_wait3A_79 : memref<10240x128xf32, #tpu.memory_space<hbm>>) dst(%arg8 : memref<128x128xf32, #tpu.memory_space<vmem>>)
      %dma_start3A_80 = arith.constant 0 : i32
      %dma_start3A_81 = tpu.memref_slice %arg7[%mul3A_72, %dma_start3A_80] : memref<40x128xi32, #tpu.memory_space<vmem>> -> memref<1x128xi32, #tpu.memory_space<vmem>>
      %dma_start3A_82 = tpu.memref_squeeze %dma_start3A_81 : memref<1x128xi32, #tpu.memory_space<vmem>> -> memref<128xi32, #tpu.memory_space<vmem>>
      %dma_start3A_83 = arith.constant 0 : i32
      %dma_start3A_84 = arith.constant 0 : i32
      %dma_start3A_85 = tpu.memref_slice %arg10[%dma_start3A_83, %dma_start3A_84] : memref<10240x128xf32, #tpu.memory_space<vmem_shared>> -> memref<10240x128xf32, #tpu.memory_space<vmem_shared>>
      tpu.enqueue_indirect_dma source(%arg8 : memref<128x128xf32, #tpu.memory_space<vmem>>) target(%dma_start3A_85 : memref<10240x128xf32, #tpu.memory_space<vmem_shared>>) offsets(%dma_start3A_82 : memref<128xi32, #tpu.memory_space<vmem>>) semaphore(%arg13 : memref<!tpu.dma_semaphore, #tpu.memory_space<semaphore_mem>>) {add = true}
      %dma_wait3A_86 = arith.constant 0 : i32
      %dma_wait3A_87 = tpu.memref_slice %arg6[%add3A_74, %dma_wait3A_86] : memref<40x128xi32, #tpu.memory_space<vmem>> -> memref<1x128xi32, #tpu.memory_space<vmem>>
      %dma_wait3A_88 = tpu.memref_squeeze %dma_wait3A_87 : memref<1x128xi32, #tpu.memory_space<vmem>> -> memref<128xi32, #tpu.memory_space<vmem>>
      %dma_wait3A_89 = arith.constant 0 : i32
      %dma_wait3A_90 = arith.constant 0 : i32
      %dma_wait3A_91 = tpu.memref_slice %arg4[%dma_wait3A_89, %dma_wait3A_90] : memref<10240x128xf32, #tpu.memory_space<hbm>> -> memref<10240x128xf32, #tpu.memory_space<hbm>>
      tpu.wait_indirect_dma semaphore(%arg12 : memref<!tpu.dma_semaphore, #tpu.memory_space<semaphore_mem>>) src(%dma_wait3A_91 : memref<10240x128xf32, #tpu.memory_space<hbm>>) dst(%arg9 : memref<128x128xf32, #tpu.memory_space<vmem>>)
      %dma_start3A_92 = arith.constant 0 : i32
      %dma_start3A_93 = tpu.memref_slice %arg7[%add3A_74, %dma_start3A_92] : memref<40x128xi32, #tpu.memory_space<vmem>> -> memref<1x128xi32, #tpu.memory_space<vmem>>
      %dma_start3A_94 = tpu.memref_squeeze %dma_start3A_93 : memref<1x128xi32, #tpu.memory_space<vmem>> -> memref<128xi32, #tpu.memory_space<vmem>>
      %dma_start3A_95 = arith.constant 0 : i32
      %dma_start3A_96 = arith.constant 0 : i32
      %dma_start3A_97 = tpu.memref_slice %arg10[%dma_start3A_95, %dma_start3A_96] : memref<10240x128xf32, #tpu.memory_space<vmem_shared>> -> memref<10240x128xf32, #tpu.memory_space<vmem_shared>>
      tpu.enqueue_indirect_dma source(%arg9 : memref<128x128xf32, #tpu.memory_space<vmem>>) target(%dma_start3A_97 : memref<10240x128xf32, #tpu.memory_space<vmem_shared>>) offsets(%dma_start3A_94 : memref<128xi32, #tpu.memory_space<vmem>>) semaphore(%arg14 : memref<!tpu.dma_semaphore, #tpu.memory_space<semaphore_mem>>) {add = true}
      %dma_wait3A_98 = arith.constant 0 : i32
      %dma_wait3A_99 = tpu.memref_slice %arg7[%mul3A_72, %dma_wait3A_98] : memref<40x128xi32, #tpu.memory_space<vmem>> -> memref<1x128xi32, #tpu.memory_space<vmem>>
      %dma_wait3A_100 = tpu.memref_squeeze %dma_wait3A_99 : memref<1x128xi32, #tpu.memory_space<vmem>> -> memref<128xi32, #tpu.memory_space<vmem>>
      %dma_wait3A_101 = arith.constant 0 : i32
      %dma_wait3A_102 = arith.constant 0 : i32
      %dma_wait3A_103 = tpu.memref_slice %arg10[%dma_wait3A_101, %dma_wait3A_102] : memref<10240x128xf32, #tpu.memory_space<vmem_shared>> -> memref<10240x128xf32, #tpu.memory_space<vmem_shared>>
      tpu.wait_indirect_dma semaphore(%arg13 : memref<!tpu.dma_semaphore, #tpu.memory_space<semaphore_mem>>) src(%arg8 : memref<128x128xf32, #tpu.memory_space<vmem>>) dst(%dma_wait3A_103 : memref<10240x128xf32, #tpu.memory_space<vmem_shared>>)
      %add3A_104 = arith.constant 2 : i32
      %add3A_105 = arith.addi %mul3A_72, %add3A_104 : i32
      %lt3A = arith.constant 40 : i32
      %lt3A_106 = arith.cmpi slt, %add3A_105, %lt3A : i32
      %convert_element_type3A = arith.extui %lt3A_106 : i1 to i32
      %cond3A = arith.constant 0 : i32
      %cond3A_107 = arith.cmpi ne, %convert_element_type3A, %cond3A : i32
      scf.if %cond3A_107 {
        %add3A_121 = arith.constant 2 : i32
        %add3A_122 = arith.addi %mul3A_72, %add3A_121 : i32
        %dma_start3A_123 = arith.constant 0 : i32
        %dma_start3A_124 = tpu.memref_slice %arg6[%add3A_122, %dma_start3A_123] : memref<40x128xi32, #tpu.memory_space<vmem>> -> memref<1x128xi32, #tpu.memory_space<vmem>>
        %dma_start3A_125 = tpu.memref_squeeze %dma_start3A_124 : memref<1x128xi32, #tpu.memory_space<vmem>> -> memref<128xi32, #tpu.memory_space<vmem>>
        %dma_start3A_126 = arith.constant 0 : i32
        %dma_start3A_127 = arith.constant 0 : i32
        %dma_start3A_128 = tpu.memref_slice %arg4[%dma_start3A_126, %dma_start3A_127] : memref<10240x128xf32, #tpu.memory_space<hbm>> -> memref<10240x128xf32, #tpu.memory_space<hbm>>
        tpu.enqueue_indirect_dma source(%dma_start3A_128 : memref<10240x128xf32, #tpu.memory_space<hbm>>) target(%arg8 : memref<128x128xf32, #tpu.memory_space<vmem>>) offsets(%dma_start3A_125 : memref<128xi32, #tpu.memory_space<vmem>>) semaphore(%arg11 : memref<!tpu.dma_semaphore, #tpu.memory_space<semaphore_mem>>)
      } else {
      }
      %dma_wait3A_108 = arith.constant 0 : i32
      %dma_wait3A_109 = tpu.memref_slice %arg7[%add3A_74, %dma_wait3A_108] : memref<40x128xi32, #tpu.memory_space<vmem>> -> memref<1x128xi32, #tpu.memory_space<vmem>>
      %dma_wait3A_110 = tpu.memref_squeeze %dma_wait3A_109 : memref<1x128xi32, #tpu.memory_space<vmem>> -> memref<128xi32, #tpu.memory_space<vmem>>
      %dma_wait3A_111 = arith.constant 0 : i32
      %dma_wait3A_112 = arith.constant 0 : i32
      %dma_wait3A_113 = tpu.memref_slice %arg10[%dma_wait3A_111, %dma_wait3A_112] : memref<10240x128xf32, #tpu.memory_space<vmem_shared>> -> memref<10240x128xf32, #tpu.memory_space<vmem_shared>>
      tpu.wait_indirect_dma semaphore(%arg14 : memref<!tpu.dma_semaphore, #tpu.memory_space<semaphore_mem>>) src(%arg9 : memref<128x128xf32, #tpu.memory_space<vmem>>) dst(%dma_wait3A_113 : memref<10240x128xf32, #tpu.memory_space<vmem_shared>>)
      %add3A_114 = arith.constant 2 : i32
      %add3A_115 = arith.addi %add3A_74, %add3A_114 : i32
      %lt3A_116 = arith.constant 40 : i32
      %lt3A_117 = arith.cmpi slt, %add3A_115, %lt3A_116 : i32
      %convert_element_type3A_118 = arith.extui %lt3A_117 : i1 to i32
      %cond3A_119 = arith.constant 0 : i32
      %cond3A_120 = arith.cmpi ne, %convert_element_type3A_118, %cond3A_119 : i32
      scf.if %cond3A_120 {
        %add3A_121 = arith.constant 2 : i32
        %add3A_122 = arith.addi %add3A_74, %add3A_121 : i32
        %dma_start3A_123 = arith.constant 0 : i32
        %dma_start3A_124 = tpu.memref_slice %arg6[%add3A_122, %dma_start3A_123] : memref<40x128xi32, #tpu.memory_space<vmem>> -> memref<1x128xi32, #tpu.memory_space<vmem>>
        %dma_start3A_125 = tpu.memref_squeeze %dma_start3A_124 : memref<1x128xi32, #tpu.memory_space<vmem>> -> memref<128xi32, #tpu.memory_space<vmem>>
        %dma_start3A_126 = arith.constant 0 : i32
        %dma_start3A_127 = arith.constant 0 : i32
        %dma_start3A_128 = tpu.memref_slice %arg4[%dma_start3A_126, %dma_start3A_127] : memref<10240x128xf32, #tpu.memory_space<hbm>> -> memref<10240x128xf32, #tpu.memory_space<hbm>>
        tpu.enqueue_indirect_dma source(%dma_start3A_128 : memref<10240x128xf32, #tpu.memory_space<hbm>>) target(%arg9 : memref<128x128xf32, #tpu.memory_space<vmem>>) offsets(%dma_start3A_125 : memref<128xi32, #tpu.memory_space<vmem>>) semaphore(%arg12 : memref<!tpu.dma_semaphore, #tpu.memory_space<semaphore_mem>>)
      } else {
      }
    }
    %scan3A_64 = arith.constant 20 : i32
    %barrier3A_65 = arith.constant 0 : index
    tpu.barrier barrier_id(%barrier3A_65)
    %mul3A_66 = arith.constant 640 : i32
    %mul3A_67 = arith.muli %arg1, %mul3A_66 : i32
    %mul3A_68 = arith.constant 640 : i32
    %mul3A_69 = arith.muli %arg1, %mul3A_68 : i32
    "tpu.region"() ({
      %run_scoped3A = tpu.sem_alloc : memref<!tpu.dma_semaphore, #tpu.memory_space<semaphore_mem>>
      %dma_start3A_70 = arith.constant 0 : i32
      %dma_start3A_71 = tpu.memref_slice %arg5[%arg0, %mul3A_69, %dma_start3A_70] : memref<2x10240x128xf32, #tpu.memory_space<hbm>> -> memref<1x640x128xf32, #tpu.memory_space<hbm>>
      %dma_start3A_72 = tpu.memref_squeeze %dma_start3A_71 : memref<1x640x128xf32, #tpu.memory_space<hbm>> -> memref<640x128xf32, #tpu.memory_space<hbm>>
      %dma_start3A_73 = arith.constant 0 : i32
      %dma_start3A_74 = tpu.memref_slice %arg10[%mul3A_67, %dma_start3A_73] : memref<10240x128xf32, #tpu.memory_space<vmem_shared>> -> memref<640x128xf32, #tpu.memory_space<vmem_shared>>
      tpu.enqueue_dma source(%dma_start3A_74 : memref<640x128xf32, #tpu.memory_space<vmem_shared>>) target(%dma_start3A_72 : memref<640x128xf32, #tpu.memory_space<hbm>>) target_semaphore(%run_scoped3A : memref<!tpu.dma_semaphore, #tpu.memory_space<semaphore_mem>>)
      %dma_wait3A = arith.constant 0 : i32
      %dma_wait3A_75 = tpu.memref_slice %arg5[%arg0, %mul3A_69, %dma_wait3A] : memref<2x10240x128xf32, #tpu.memory_space<hbm>> -> memref<1x640x128xf32, #tpu.memory_space<hbm>>
      %dma_wait3A_76 = tpu.memref_squeeze %dma_wait3A_75 : memref<1x640x128xf32, #tpu.memory_space<hbm>> -> memref<640x128xf32, #tpu.memory_space<hbm>>
      %dma_wait3A_77 = arith.constant 0 : i32
      %dma_wait3A_78 = tpu.memref_slice %arg10[%mul3A_67, %dma_wait3A_77] : memref<10240x128xf32, #tpu.memory_space<vmem_shared>> -> memref<640x128xf32, #tpu.memory_space<vmem_shared>>
      tpu.wait_dma2 semaphore(%run_scoped3A : memref<!tpu.dma_semaphore, #tpu.memory_space<semaphore_mem>>) src(%dma_wait3A_78 : memref<640x128xf32, #tpu.memory_space<vmem_shared>>) dst(%dma_wait3A_76 : memref<640x128xf32, #tpu.memory_space<hbm>>)
      tpu.yield
    }) : () -> ()
    return
  }
}

#map = affine_map<(d0, d1) -> (0, 0, 0)>
#map1 = affine_map<(d0, d1) -> (0)>
module attributes {stable_mosaic.version = 14 : i64} {
  func.func @s_kernel(%arg0: i32, %arg1: i32, %arg2: memref<32x80x128xi32, #tpu.memory_space<hbm>>, %arg3: memref<32x80x128xi32, #tpu.memory_space<hbm>>, %arg4: memref<10240xf32, #tpu.memory_space<hbm>>, %arg5: memref<327680xf32, #tpu.memory_space<hbm>>, %arg6: memref<80x128xi32, #tpu.memory_space<vmem>>, %arg7: memref<80x128xi32, #tpu.memory_space<vmem>>, %arg8: memref<10240xf32, #tpu.memory_space<vmem>>, %arg9: memref<10240xf32, #tpu.memory_space<vmem>>) attributes {dimension_semantics = [#tpu.dimension_semantics<core_parallel>, #tpu.dimension_semantics<subcore_parallel>], iteration_bounds = array<i64: 2, 16>, scalar_prefetch = 0 : i64, scratch_operands = 4 : i64, tpu.core_type = #tpu.core_type<sc_vector_subcore>, window_params = [{transform_indices = #map}, {transform_indices = #map}, {transform_indices = #map1}, {transform_indices = #map1}]} {
    %mul3A = arith.constant 16 : i32
    %mul3A_0 = arith.muli %arg0, %mul3A : i32
    %add3A = arith.addi %mul3A_0, %arg1 : i32
    "tpu.region"() ({
      %run_scoped3A = tpu.sem_alloc : memref<!tpu.dma_semaphore, #tpu.memory_space<semaphore_mem>>
      %dma_start3A = arith.constant 0 : i32
      %dma_start3A_14 = arith.constant 0 : i32
      %dma_start3A_15 = tpu.memref_slice %arg2[%add3A, %dma_start3A, %dma_start3A_14] : memref<32x80x128xi32, #tpu.memory_space<hbm>> -> memref<1x80x128xi32, #tpu.memory_space<hbm>>
      %dma_start3A_16 = tpu.memref_squeeze %dma_start3A_15 : memref<1x80x128xi32, #tpu.memory_space<hbm>> -> memref<80x128xi32, #tpu.memory_space<hbm>>
      %dma_start3A_17 = arith.constant 0 : i32
      %dma_start3A_18 = arith.constant 0 : i32
      %dma_start3A_19 = tpu.memref_slice %arg2[%add3A, %dma_start3A_17, %dma_start3A_18] : memref<32x80x128xi32, #tpu.memory_space<hbm>> -> memref<1x80x128xi32, #tpu.memory_space<hbm>>
      %dma_start3A_20 = tpu.memref_squeeze %dma_start3A_19 : memref<1x80x128xi32, #tpu.memory_space<hbm>> -> memref<80x128xi32, #tpu.memory_space<hbm>>
      tpu.enqueue_dma source(%dma_start3A_20 : memref<80x128xi32, #tpu.memory_space<hbm>>) target(%arg6 : memref<80x128xi32, #tpu.memory_space<vmem>>) target_semaphore(%run_scoped3A : memref<!tpu.dma_semaphore, #tpu.memory_space<semaphore_mem>>)
      %dma_wait3A = arith.constant 0 : i32
      %dma_wait3A_21 = arith.constant 0 : i32
      %dma_wait3A_22 = tpu.memref_slice %arg2[%add3A, %dma_wait3A, %dma_wait3A_21] : memref<32x80x128xi32, #tpu.memory_space<hbm>> -> memref<1x80x128xi32, #tpu.memory_space<hbm>>
      %dma_wait3A_23 = tpu.memref_squeeze %dma_wait3A_22 : memref<1x80x128xi32, #tpu.memory_space<hbm>> -> memref<80x128xi32, #tpu.memory_space<hbm>>
      %dma_wait3A_24 = arith.constant 0 : i32
      %dma_wait3A_25 = arith.constant 0 : i32
      %dma_wait3A_26 = tpu.memref_slice %arg2[%add3A, %dma_wait3A_24, %dma_wait3A_25] : memref<32x80x128xi32, #tpu.memory_space<hbm>> -> memref<1x80x128xi32, #tpu.memory_space<hbm>>
      %dma_wait3A_27 = tpu.memref_squeeze %dma_wait3A_26 : memref<1x80x128xi32, #tpu.memory_space<hbm>> -> memref<80x128xi32, #tpu.memory_space<hbm>>
      tpu.wait_dma2 semaphore(%run_scoped3A : memref<!tpu.dma_semaphore, #tpu.memory_space<semaphore_mem>>) src(%dma_wait3A_27 : memref<80x128xi32, #tpu.memory_space<hbm>>) dst(%arg6 : memref<80x128xi32, #tpu.memory_space<vmem>>)
      tpu.yield
    }) : () -> ()
    "tpu.region"() ({
      %run_scoped3A = tpu.sem_alloc : memref<!tpu.dma_semaphore, #tpu.memory_space<semaphore_mem>>
      %dma_start3A = arith.constant 0 : i32
      %dma_start3A_14 = arith.constant 0 : i32
      %dma_start3A_15 = tpu.memref_slice %arg3[%add3A, %dma_start3A, %dma_start3A_14] : memref<32x80x128xi32, #tpu.memory_space<hbm>> -> memref<1x80x128xi32, #tpu.memory_space<hbm>>
      %dma_start3A_16 = tpu.memref_squeeze %dma_start3A_15 : memref<1x80x128xi32, #tpu.memory_space<hbm>> -> memref<80x128xi32, #tpu.memory_space<hbm>>
      %dma_start3A_17 = arith.constant 0 : i32
      %dma_start3A_18 = arith.constant 0 : i32
      %dma_start3A_19 = tpu.memref_slice %arg3[%add3A, %dma_start3A_17, %dma_start3A_18] : memref<32x80x128xi32, #tpu.memory_space<hbm>> -> memref<1x80x128xi32, #tpu.memory_space<hbm>>
      %dma_start3A_20 = tpu.memref_squeeze %dma_start3A_19 : memref<1x80x128xi32, #tpu.memory_space<hbm>> -> memref<80x128xi32, #tpu.memory_space<hbm>>
      tpu.enqueue_dma source(%dma_start3A_20 : memref<80x128xi32, #tpu.memory_space<hbm>>) target(%arg7 : memref<80x128xi32, #tpu.memory_space<vmem>>) target_semaphore(%run_scoped3A : memref<!tpu.dma_semaphore, #tpu.memory_space<semaphore_mem>>)
      %dma_wait3A = arith.constant 0 : i32
      %dma_wait3A_21 = arith.constant 0 : i32
      %dma_wait3A_22 = tpu.memref_slice %arg3[%add3A, %dma_wait3A, %dma_wait3A_21] : memref<32x80x128xi32, #tpu.memory_space<hbm>> -> memref<1x80x128xi32, #tpu.memory_space<hbm>>
      %dma_wait3A_23 = tpu.memref_squeeze %dma_wait3A_22 : memref<1x80x128xi32, #tpu.memory_space<hbm>> -> memref<80x128xi32, #tpu.memory_space<hbm>>
      %dma_wait3A_24 = arith.constant 0 : i32
      %dma_wait3A_25 = arith.constant 0 : i32
      %dma_wait3A_26 = tpu.memref_slice %arg3[%add3A, %dma_wait3A_24, %dma_wait3A_25] : memref<32x80x128xi32, #tpu.memory_space<hbm>> -> memref<1x80x128xi32, #tpu.memory_space<hbm>>
      %dma_wait3A_27 = tpu.memref_squeeze %dma_wait3A_26 : memref<1x80x128xi32, #tpu.memory_space<hbm>> -> memref<80x128xi32, #tpu.memory_space<hbm>>
      tpu.wait_dma2 semaphore(%run_scoped3A : memref<!tpu.dma_semaphore, #tpu.memory_space<semaphore_mem>>) src(%dma_wait3A_27 : memref<80x128xi32, #tpu.memory_space<hbm>>) dst(%arg7 : memref<80x128xi32, #tpu.memory_space<vmem>>)
      tpu.yield
    }) : () -> ()
    "tpu.region"() ({
      %run_scoped3A = tpu.sem_alloc : memref<!tpu.dma_semaphore, #tpu.memory_space<semaphore_mem>>
      tpu.enqueue_dma source(%arg4 : memref<10240xf32, #tpu.memory_space<hbm>>) target(%arg8 : memref<10240xf32, #tpu.memory_space<vmem>>) target_semaphore(%run_scoped3A : memref<!tpu.dma_semaphore, #tpu.memory_space<semaphore_mem>>)
      tpu.wait_dma2 semaphore(%run_scoped3A : memref<!tpu.dma_semaphore, #tpu.memory_space<semaphore_mem>>) src(%arg4 : memref<10240xf32, #tpu.memory_space<hbm>>) dst(%arg8 : memref<10240xf32, #tpu.memory_space<vmem>>)
      tpu.yield
    }) : () -> ()
    %scan3A = arith.constant 0 : i32
    %scan3A_1 = arith.constant 0 : i32
    %scan3A_2 = arith.constant 640 : i32
    %scan3A_3 = arith.addi %scan3A_1, %scan3A_2 : i32
    %scan3A_4 = arith.constant 1 : i32
    scf.for %scan3A_14 = %scan3A_1 to %scan3A_3 step %scan3A_4  : i32 {
      %broadcast_in_dim3A = arith.constant 0.000000e+00 : f32
      %broadcast_in_dim3A_15 = vector.broadcast %broadcast_in_dim3A : f32 to vector<16xf32>
      %mul3A_16 = arith.constant 16 : i32
      %mul3A_17 = arith.muli %scan3A_14, %mul3A_16 : i32
      %swap3A = arith.index_cast %mul3A_17 : i32 to index
      %swap3A_18 = tpu.vector_load %arg9[%swap3A] {strides = array<i32>} : memref<10240xf32, #tpu.memory_space<vmem>>, vector<16xf32>,
      tpu.vector_store %arg9[%swap3A], %broadcast_in_dim3A_15 {strides = array<i32>} : memref<10240xf32, #tpu.memory_space<vmem>>, vector<16xf32>,
    }
    %scan3A_5 = arith.constant 640 : i32
    %scan3A_6 = arith.constant 0 : i32
    %scan3A_7 = arith.constant 0 : i32
    %scan3A_8 = arith.constant 80 : i32
    %scan3A_9 = arith.addi %scan3A_7, %scan3A_8 : i32
    %scan3A_10 = arith.constant 1 : i32
    scf.for %scan3A_14 = %scan3A_7 to %scan3A_9 step %scan3A_10  : i32 {
      %scan3A_15 = arith.constant 0 : i32
      %scan3A_16 = arith.constant 8 : i32
      %scan3A_17 = arith.addi %scan3A_15, %scan3A_16 : i32
      %scan3A_18 = arith.constant 1 : i32
      scf.for %scan3A_20 = %scan3A_15 to %scan3A_17 step %scan3A_18  : i32 {
        %mul3A_21 = arith.constant 16 : i32
        %mul3A_22 = arith.muli %scan3A_20, %mul3A_21 : i32
        %get3A = arith.index_cast %scan3A_14 : i32 to index
        %get3A_23 = arith.index_cast %mul3A_22 : i32 to index
        %get3A_24 = tpu.vector_load %arg6[%get3A, %get3A_23] {strides = array<i32>} : memref<80x128xi32, #tpu.memory_space<vmem>>, vector<16xi32>,
        %mul3A_25 = arith.constant 16 : i32
        %mul3A_26 = arith.muli %scan3A_20, %mul3A_25 : i32
        %get3A_27 = arith.index_cast %scan3A_14 : i32 to index
        %get3A_28 = arith.index_cast %mul3A_26 : i32 to index
        %get3A_29 = tpu.vector_load %arg7[%get3A_27, %get3A_28] {strides = array<i32>} : memref<80x128xi32, #tpu.memory_space<vmem>>, vector<16xi32>,
        %gather3A = tpu.vector_load_idx %arg8[%get3A_24] : memref<10240xf32, #tpu.memory_space<vmem>>[vector<16xi32>], vector<16xf32>,
        tpu.vector_store_idx %arg9[%get3A_29], %gather3A {add = true} : memref<10240xf32, #tpu.memory_space<vmem>>[vector<16xi32>], vector<16xf32>,
      }
      %scan3A_19 = arith.constant 8 : i32
    }
    %scan3A_11 = arith.constant 80 : i32
    %mul3A_12 = arith.constant 10240 : i32
    %mul3A_13 = arith.muli %add3A, %mul3A_12 : i32
    "tpu.region"() ({
      %run_scoped3A = tpu.sem_alloc : memref<!tpu.dma_semaphore, #tpu.memory_space<semaphore_mem>>
      %dma_start3A = tpu.memref_slice %arg5[%mul3A_13] : memref<327680xf32, #tpu.memory_space<hbm>> -> memref<10240xf32, #tpu.memory_space<hbm>>
      %dma_start3A_14 = tpu.memref_slice %arg5[%mul3A_13] : memref<327680xf32, #tpu.memory_space<hbm>> -> memref<10240xf32, #tpu.memory_space<hbm>>
      tpu.enqueue_dma source(%arg9 : memref<10240xf32, #tpu.memory_space<vmem>>) target(%dma_start3A_14 : memref<10240xf32, #tpu.memory_space<hbm>>) target_semaphore(%run_scoped3A : memref<!tpu.dma_semaphore, #tpu.memory_space<semaphore_mem>>)
      %dma_wait3A = tpu.memref_slice %arg5[%mul3A_13] : memref<327680xf32, #tpu.memory_space<hbm>> -> memref<10240xf32, #tpu.memory_space<hbm>>
      %dma_wait3A_15 = tpu.memref_slice %arg5[%mul3A_13] : memref<327680xf32, #tpu.memory_space<hbm>> -> memref<10240xf32, #tpu.memory_space<hbm>>
      tpu.wait_dma2 semaphore(%run_scoped3A : memref<!tpu.dma_semaphore, #tpu.memory_space<semaphore_mem>>) src(%arg9 : memref<10240xf32, #tpu.memory_space<vmem>>) dst(%dma_wait3A_15 : memref<10240xf32, #tpu.memory_space<hbm>>)
      tpu.yield
    }) : () -> ()
    return
  }
}

module attributes {stable_mosaic.version = 14 : i64} {
  func.func @body(%arg0: i32, %arg1: memref<2000x32xf32, #tpu.memory_space<vmem>>, %arg2: memref<2000x128xf32, #tpu.memory_space<vmem>>, %arg3: memref<2000x128xf32, #tpu.memory_space<vmem>>, %arg4: memref<2000x1xf32, #tpu.memory_space<vmem>>) attributes {dimension_semantics = [#tpu.dimension_semantics<arbitrary>], iteration_bounds = array<i64: 5>, scalar_prefetch = 0 : i64, scratch_operands = 0 : i64, tpu.core_type = #tpu.core_type<tc>, window_params = [{transform_indices = @transform_0, window_bounds = array<i64: 2000, 32>}, {transform_indices = @transform_1, window_bounds = array<i64: 2000, 128>}, {transform_indices = @transform_2, window_bounds = array<i64: 2000, 128>}, {transform_indices = @transform_3, window_bounds = array<i64: 2000, 1>}]} {
    %get3A = arith.constant 0 : index
    %get3A_0 = arith.constant 0 : index
    %get3A_1 = vector.load %arg1[%get3A, %get3A_0] : memref<2000x32xf32, #tpu.memory_space<vmem>>, vector<2000x32xf32>
    %reduce_sum3A = arith.constant dense<0.000000e+00> : vector<2000xf32>
    %reduce_sum3A_2 = vector.multi_reduction <add>, %get3A_1, %reduce_sum3A [1] : vector<2000x32xf32> to vector<2000xf32>
    %broadcast_in_dim3A = vector.shape_cast %reduce_sum3A_2 : vector<2000xf32> to vector<2000x1xf32>
    %gt3A = arith.constant 0.000000e+00 : f32
    %gt3A_3 = vector.broadcast %gt3A : f32 to vector<2000x1xf32>
    %gt3A_4 = arith.cmpf ogt, %broadcast_in_dim3A, %gt3A_3 : vector<2000x1xf32>
    %max3A = arith.constant 9.99999996E-13 : f32
    %max3A_5 = vector.broadcast %max3A : f32 to vector<2000x1xf32>
    %max3A_6 = arith.maximumf %broadcast_in_dim3A, %max3A_5 : vector<2000x1xf32>
    %rsqrt3A = math.rsqrt %max3A_6 : vector<2000x1xf32>
    %jit3A = arith.constant 0.000000e+00 : f32
    %broadcast_in_dim3A_7 = vector.broadcast %jit3A : f32 to vector<2000x1xf32>
    %select_n3A = arith.select %gt3A_4, %rsqrt3A, %broadcast_in_dim3A_7 : vector<2000x1xi1>, vector<2000x1xf32>
    %get3A_8 = arith.constant 0 : index
    %get3A_9 = arith.constant 0 : index
    %get3A_10 = vector.load %arg2[%get3A_8, %get3A_9] : memref<2000x128xf32, #tpu.memory_space<vmem>>, vector<2000x128xf32>
    %mul3A = vector.broadcast %select_n3A : vector<2000x1xf32> to vector<2000x128xf32>
    %mul3A_11 = arith.mulf %get3A_10, %mul3A : vector<2000x128xf32>
    %swap3A = arith.constant 0 : index
    %swap3A_12 = arith.constant 0 : index
    %swap3A_13 = vector.load %arg3[%swap3A, %swap3A_12] : memref<2000x128xf32, #tpu.memory_space<vmem>>, vector<2000x128xf32>
    tpu.vector_store %arg3[%swap3A, %swap3A_12], %mul3A_11 {strides = array<i32>} : memref<2000x128xf32, #tpu.memory_space<vmem>>, vector<2000x128xf32>,
    %swap3A_14 = arith.constant 0 : index
    %swap3A_15 = arith.constant 0 : index
    %swap3A_16 = vector.load %arg4[%swap3A_14, %swap3A_15] : memref<2000x1xf32, #tpu.memory_space<vmem>>, vector<2000x1xf32>
    tpu.vector_store %arg4[%swap3A_14, %swap3A_15], %select_n3A {strides = array<i32>} : memref<2000x1xf32, #tpu.memory_space<vmem>>, vector<2000x1xf32>,
    return
  }
  func.func @transform_0(%arg0: i32) -> (i32, i32) {
    %c0_i32 = arith.constant 0 : i32
    %c0_i32_0 = arith.constant 0 : i32
    return %arg0, %c0_i32 : i32, i32
  }
  func.func @transform_1(%arg0: i32) -> (i32, i32) {
    %c0_i32 = arith.constant 0 : i32
    %c0_i32_0 = arith.constant 0 : i32
    return %arg0, %c0_i32 : i32, i32
  }
  func.func @transform_2(%arg0: i32) -> (i32, i32) {
    %c0_i32 = arith.constant 0 : i32
    %c0_i32_0 = arith.constant 0 : i32
    return %arg0, %c0_i32 : i32, i32
  }
  func.func @transform_3(%arg0: i32) -> (i32, i32) {
    %c0_i32 = arith.constant 0 : i32
    %c0_i32_0 = arith.constant 0 : i32
    return %arg0, %c0_i32 : i32, i32
  }
}

module attributes {stable_mosaic.version = 14 : i64} {
  func.func @body(%arg0: i32, %arg1: memref<2000x32xf32, #tpu.memory_space<vmem>>, %arg2: memref<2000x32xf32, #tpu.memory_space<vmem>>, %arg3: memref<2000x128xf32, #tpu.memory_space<vmem>>, %arg4: memref<2x2000x128xf32, #tpu.memory_space<vmem>>, %arg5: memref<128x128xf32, #tpu.memory_space<vmem>>, %arg6: memref<1x128xf32, #tpu.memory_space<vmem>>, %arg7: memref<2000x128xf32, #tpu.memory_space<vmem>>) attributes {dimension_semantics = [#tpu.dimension_semantics<arbitrary>], iteration_bounds = array<i64: 5>, scalar_prefetch = 0 : i64, scratch_operands = 0 : i64, tpu.core_type = #tpu.core_type<tc>, window_params = [{transform_indices = @transform_0, window_bounds = array<i64: 2000, 32>}, {transform_indices = @transform_1, window_bounds = array<i64: 2000, 32>}, {transform_indices = @transform_2, window_bounds = array<i64: 2000, 128>}, {transform_indices = @transform_3, window_bounds = array<i64: 2, 2000, 128>}, {pipeline_mode = #tpu.pipeline_mode<synchronous>, transform_indices = @transform_4, window_bounds = array<i64: 128, 128>}, {pipeline_mode = #tpu.pipeline_mode<synchronous>, transform_indices = @transform_5, window_bounds = array<i64: 1, 128>}, {transform_indices = @transform_6, window_bounds = array<i64: 2000, 128>}]} {
    %get3A = arith.constant 0 : index
    %get3A_0 = arith.constant 0 : index
    %get3A_1 = vector.load %arg1[%get3A, %get3A_0] : memref<2000x32xf32, #tpu.memory_space<vmem>>, vector<2000x32xf32>
    %reduce_sum3A = arith.constant dense<0.000000e+00> : vector<2000xf32>
    %reduce_sum3A_2 = vector.multi_reduction <add>, %get3A_1, %reduce_sum3A [1] : vector<2000x32xf32> to vector<2000xf32>
    %broadcast_in_dim3A = vector.shape_cast %reduce_sum3A_2 : vector<2000xf32> to vector<2000x1xf32>
    %gt3A = arith.constant 0.000000e+00 : f32
    %gt3A_3 = vector.broadcast %gt3A : f32 to vector<2000x1xf32>
    %gt3A_4 = arith.cmpf ogt, %broadcast_in_dim3A, %gt3A_3 : vector<2000x1xf32>
    %max3A = arith.constant 9.99999996E-13 : f32
    %max3A_5 = vector.broadcast %max3A : f32 to vector<2000x1xf32>
    %max3A_6 = arith.maximumf %broadcast_in_dim3A, %max3A_5 : vector<2000x1xf32>
    %rsqrt3A = math.rsqrt %max3A_6 : vector<2000x1xf32>
    %jit3A = arith.constant 0.000000e+00 : f32
    %broadcast_in_dim3A_7 = vector.broadcast %jit3A : f32 to vector<2000x1xf32>
    %select_n3A = arith.select %gt3A_4, %rsqrt3A, %broadcast_in_dim3A_7 : vector<2000x1xi1>, vector<2000x1xf32>
    %get3A_8 = arith.constant 0 : index
    %get3A_9 = arith.constant 0 : index
    %get3A_10 = arith.constant 0 : index
    %get3A_11 = vector.load %arg4[%get3A_8, %get3A_9, %get3A_10] : memref<2x2000x128xf32, #tpu.memory_space<vmem>>, vector<1x2000x128xf32>
    %get3A_12 = vector.shape_cast %get3A_11 : vector<1x2000x128xf32> to vector<2000x128xf32>
    %get3A_13 = arith.constant 1 : index
    %get3A_14 = arith.constant 0 : index
    %get3A_15 = arith.constant 0 : index
    %get3A_16 = vector.load %arg4[%get3A_13, %get3A_14, %get3A_15] : memref<2x2000x128xf32, #tpu.memory_space<vmem>>, vector<1x2000x128xf32>
    %get3A_17 = vector.shape_cast %get3A_16 : vector<1x2000x128xf32> to vector<2000x128xf32>
    %add3A = arith.addf %get3A_12, %get3A_17 : vector<2000x128xf32>
    %get3A_18 = arith.constant 0 : index
    %get3A_19 = arith.constant 0 : index
    %get3A_20 = vector.load %arg2[%get3A_18, %get3A_19] : memref<2000x32xf32, #tpu.memory_space<vmem>>, vector<2000x32xf32>
    %reduce_sum3A_21 = arith.constant dense<0.000000e+00> : vector<2000xf32>
    %reduce_sum3A_22 = vector.multi_reduction <add>, %get3A_20, %reduce_sum3A_21 [1] : vector<2000x32xf32> to vector<2000xf32>
    %broadcast_in_dim3A_23 = vector.shape_cast %reduce_sum3A_22 : vector<2000xf32> to vector<2000x1xf32>
    %get3A_24 = arith.constant 0 : index
    %get3A_25 = arith.constant 0 : index
    %get3A_26 = vector.load %arg3[%get3A_24, %get3A_25] : memref<2000x128xf32, #tpu.memory_space<vmem>>, vector<2000x128xf32>
    %mul3A = arith.mulf %get3A_26, %add3A : vector<2000x128xf32>
    %get3A_27 = arith.constant 0 : index
    %get3A_28 = arith.constant 0 : index
    %get3A_29 = vector.load %arg5[%get3A_27, %get3A_28] : memref<128x128xf32, #tpu.memory_space<vmem>>, vector<128x128xf32>
    %dot_general3A = arith.constant dense<0.000000e+00> : vector<2000x128xf32>
    %dot_general3A_30 = tpu.matmul %mul3A, %get3A_29, %dot_general3A {dimension_numbers = #tpu.dot_dimension_numbers<[1], [0], [0], [1], [0, 0, 1, 1], [], []>, precision = #tpu.contract_precision<fp32>, transpose_lhs_hint = false} : vector<2000x128xf32>, vector<128x128xf32>, vector<2000x128xf32> -> vector<2000x128xf32>
    %get3A_31 = arith.constant 0 : index
    %get3A_32 = arith.constant 0 : index
    %get3A_33 = vector.load %arg6[%get3A_31, %get3A_32] : memref<1x128xf32, #tpu.memory_space<vmem>>, vector<1x128xf32>
    %add3A_34 = vector.broadcast %get3A_33 : vector<1x128xf32> to vector<2000x128xf32>
    %add3A_35 = arith.addf %get3A_26, %add3A_34 : vector<2000x128xf32>
    %mul3A_36 = vector.broadcast %broadcast_in_dim3A_23 : vector<2000x1xf32> to vector<2000x128xf32>
    %mul3A_37 = arith.mulf %mul3A_36, %add3A_35 : vector<2000x128xf32>
    %add3A_38 = arith.addf %mul3A_37, %dot_general3A_30 : vector<2000x128xf32>
    %mul3A_39 = vector.broadcast %select_n3A : vector<2000x1xf32> to vector<2000x128xf32>
    %mul3A_40 = arith.mulf %mul3A_39, %add3A_38 : vector<2000x128xf32>
    %ge3A = arith.constant 0.000000e+00 : f32
    %ge3A_41 = vector.broadcast %ge3A : f32 to vector<2000x128xf32>
    %ge3A_42 = arith.cmpf oge, %mul3A_40, %ge3A_41 : vector<2000x128xf32>
    %mul3A_43 = arith.constant 0.00999999977 : f32
    %mul3A_44 = vector.broadcast %mul3A_43 : f32 to vector<2000x128xf32>
    %mul3A_45 = arith.mulf %mul3A_44, %mul3A_40 : vector<2000x128xf32>
    %select_n3A_46 = arith.select %ge3A_42, %mul3A_40, %mul3A_45 : vector<2000x128xi1>, vector<2000x128xf32>
    %swap3A = arith.constant 0 : index
    %swap3A_47 = arith.constant 0 : index
    %swap3A_48 = vector.load %arg7[%swap3A, %swap3A_47] : memref<2000x128xf32, #tpu.memory_space<vmem>>, vector<2000x128xf32>
    tpu.vector_store %arg7[%swap3A, %swap3A_47], %select_n3A_46 {strides = array<i32>} : memref<2000x128xf32, #tpu.memory_space<vmem>>, vector<2000x128xf32>,
    return
  }
  func.func @transform_0(%arg0: i32) -> (i32, i32) {
    %c0_i32 = arith.constant 0 : i32
    %c0_i32_0 = arith.constant 0 : i32
    return %arg0, %c0_i32 : i32, i32
  }
  func.func @transform_1(%arg0: i32) -> (i32, i32) {
    %c0_i32 = arith.constant 0 : i32
    %c0_i32_0 = arith.constant 0 : i32
    return %arg0, %c0_i32 : i32, i32
  }
  func.func @transform_2(%arg0: i32) -> (i32, i32) {
    %c0_i32 = arith.constant 0 : i32
    %c0_i32_0 = arith.constant 0 : i32
    return %arg0, %c0_i32 : i32, i32
  }
  func.func @transform_3(%arg0: i32) -> (i32, i32, i32) {
    %c0_i32 = arith.constant 0 : i32
    %c0_i32_0 = arith.constant 0 : i32
    %c0_i32_1 = arith.constant 0 : i32
    return %c0_i32, %arg0, %c0_i32_0 : i32, i32, i32
  }
  func.func @transform_4(%arg0: i32) -> (i32, i32) {
    %c0_i32 = arith.constant 0 : i32
    %c0_i32_0 = arith.constant 0 : i32
    %c0_i32_1 = arith.constant 0 : i32
    return %c0_i32, %c0_i32_0 : i32, i32
  }
  func.func @transform_5(%arg0: i32) -> (i32, i32) {
    %c0_i32 = arith.constant 0 : i32
    %c0_i32_0 = arith.constant 0 : i32
    %c0_i32_1 = arith.constant 0 : i32
    return %c0_i32, %c0_i32_0 : i32, i32
  }
  func.func @transform_6(%arg0: i32) -> (i32, i32) {
    %c0_i32 = arith.constant 0 : i32
    %c0_i32_0 = arith.constant 0 : i32
    return %arg0, %c0_i32 : i32, i32
  }
}

</mosaic_0001>

<sc_bundles>
// kernel: kernel.10.cloned.1.call-start
scs
__scs_entry_jumppad:
0x0: {  	(pc) =	sbr.rel $0x88, $3  }
0x1: {  	(tag) =	ssettag $0x0;
	lr =	simm.s32 $0x1  }
0x2: {  	[smem:$0x3F9D] =	sst lr;
	_ =	strace $0xD0000000  }
0x3: {  	_ = 	snop  }
0x4: {  	_ = 	snop  }
0x5: {  	_ = 	snop  }
0x6: {  	_ = 	snop  }
0x7: {  	_ = 	snop  }
__scs_overlays_trampoline_lowered:
0x8: {  	[smem:$0x3FAC] =	sst s0  }
0x9: {  	[smem:$0x3FAD] =	sst s1  }
0xa: {  	[smem:$0x3FAE] =	sst s2  }
0xb: {  	[smem:$0x3FAF] =	sst s3  }
0xc: {  	[smem:$0x3FB0] =	sst s4  }
0xd: {  	[smem:$0x3FB1] =	sst s5  }
0xe: {  	[smem:$0x3FB2] =	sst s6  }
0xf: {  	[smem:$0x3FB3] =	sst s7  }
0x10: {  	[smem:$0x3FB4] =	sst s8  }
0x11: {  	[smem:$0x3FB5] =	sst s9;
	s0 =	simm.s32 @!p0 $0x0  }
0x12: {  	s1 =	sld [smem:$0x3F9B];
	s0 =	simm.s32 @p0 $0x1  }
0x13: {  	[smem:$0x3FB6] =	sst s0;
	s0 =	simm.s32 @!p1 $0x0  }
0x14: {  	s2 =	sld [smem:$0x3F9A];
	s0 =	simm.s32 @p1 $0x1  }
0x15: {  	[smem:$0x3FB7] =	sst s0;
	s0 =	simm.s32 @!p2 $0x0  }
0x16: {  	s3 =	sld [smem:$0x3FDB];
	s0 =	simm.s32 @p2 $0x1  }
0x17: {  	s4 =	simm.s32 $0x1BF5;
	[smem:$0x3FB9] =	sst s0  }
0x18: {  	s0 =	sld [smem:$0x3F9C];
	_ =	swait.ge [sflag:s4], $0x0  }
0x19: {  	s7 =	sld [smem:$0x3F9D]  }
0x1a: {  	s8 =	sadd.s32 $0xFFFFE003, lr  }
0x1b: {  	s9 =	sadd.s32 $0xFFFFFEF7, lr;
	s5 =	simm.s32 $0xFFFFFFFF;
	p2 =	slt.u32 s8, $0xFFFFF086  }
0x1c: {  	p1 =	slt.u32 s9, $0xF7A;
	s5 =	simm.s32 @!p2 $0x0  }
0x1d: {  	s5 =	simm.s32 @p1 $0x1;
	p0 =	seq.s32 s7, s2  }
0x1e: {  	s7 =	smul.u32 @!p0 $0xF7A, s2;
	p2 =	seq.s32 @!p0 s5, $0x0  }
0x1f: {  	s9 =	smul.u32 $0xF7A, s1;
	s8 =	simm.s32 @!p0 $0x1BF5;
	p2 =	por !p2, p0  }
0x20: {  	[sflag:s8] =	ssyncset.s32 @!p0 $0xFFFFF086;
	s6 =	sadd.s32 @!p0 s3, s7;
	s7 =	simm.s32 @!p0 $0x108  }
0x21: {  	s3 =	sadd.s32 s3, s9;
	s6 =	sadd.s32 @!p0 $0x88, s6;
	s7 =	simm.s32 @p2 $0x1082  }
0x22: {  	[simem:s7], [sflag:s8] =	dma.local @!p0 [hbm:s6], $0xF7A  }
0x23: {  	s9 =	sor.u32 $0xD0000000, s2;
	s6 =	simm.s32 $0x108;
	_ =	swait.ge @!p0 [sflag:s8], $0x0  }
0x24: {  	s3 =	sadd.s32 $0x88, s3;
	s6 =	simm.s32 @!p1 $0x1082;
	[sflag:s4] =	ssyncset.s32 $0xFFFFF086  }
0x25: {  	[simem:s6], [sflag:s4] =	dma.local [hbm:s3], $0xF7A  }
0x26: {  	[smem:$0x3F9D] =	sst s1;
	(tag) =	ssettag s2;
	_ =	strace s9  }
0x27: {  	s1 =	sld [smem:$0x3FAD]  }
0x28: {  	s2 =	sld [smem:$0x3FAE]  }
0x29: {  	s4 =	sld [smem:$0x3FB0]  }
0x2a: {  	p0 =	seq.s32 s5, $0x0;
	s5 =	sld [smem:$0x3FB1]  }
0x2b: {  	s6 =	sld [smem:$0x3FB2]  }
0x2c: {  	s7 =	sld [smem:$0x3FB3]  }
0x2d: {  	s3 =	simm.s32 $0x108;
	s8 =	sld [smem:$0x3FB4]  }
0x2e: {  	s3 =	simm.s32 @!p0 $0x1082;
	s9 =	sld [smem:$0x3FB5]  }
0x2f: {  	lr =	sadd.s32 s0, s3;
	s0 =	sld [smem:$0x3FAC]  }
0x30: {  	s3 =	sld [smem:$0x3FAF]  }
0x31: {  	[smem:$0x3FB8] =	sst s10  }
0x32: {  	s10 =	sld [smem:$0x3FB6];
	_ =	sdelay $0x3  }
0x33: {  	p0 =	seq.s32 s10, $0x1;
	s10 =	sld [smem:$0x3FB8];
	_ =	sdelay $0x3  }
0x34: {  	[smem:$0x3FB8] =	sst s10  }
0x35: {  	s10 =	sld [smem:$0x3FB7];
	_ =	sdelay $0x3  }
0x36: {  	p1 =	seq.s32 s10, $0x1;
	s10 =	sld [smem:$0x3FB8];
	_ =	sdelay $0x3  }
0x37: {  	[smem:$0x3FB8] =	sst s10  }
0x38: {  	s10 =	sld [smem:$0x3FB9]  }
0x39: {  	_ = 	snop;
	(pc) =	sbr.ind lr, $3  }
0x3a: {  	_ = 	snop  }
0x3b: {  	_ = 	snop  }
0x3c: {  	p2 =	seq.s32 s10, $0x1;
	s10 =	sld [smem:$0x3FB8]  }
0x3d: {  	_ =	shalt  }
0x3e: {  	_ =	shalt  }
0x3f: {  	_ =	shalt  }
0x40: {  	_ =	shalt  }
0x41: {  	_ =	shalt  }
0x42: {  	_ =	shalt  }
0x43: {  	_ =	shalt  }
0x44: {  	_ =	shalt  }
0x45: {  	_ =	shalt  }
0x46: {  	_ =	shalt  }
0x47: {  	_ =	shalt  }
0x48: {  	_ =	shalt  }
0x49: {  	_ =	shalt  }
0x4a: {  	_ =	shalt  }
0x4b: {  	_ =	shalt  }
0x4c: {  	_ =	shalt  }
0x4d: {  	_ =	shalt  }
0x4e: {  	_ =	shalt  }
0x4f: {  	_ =	shalt  }
0x50: {  	_ =	shalt  }
0x51: {  	_ =	shalt  }
0x52: {  	_ =	shalt  }
0x53: {  	_ =	shalt  }
0x54: {  	_ =	shalt  }
0x55: {  	_ =	shalt  }
0x56: {  	_ =	shalt  }
0x57: {  	_ =	shalt  }
0x58: {  	_ =	shalt  }
0x59: {  	_ =	shalt  }
0x5a: {  	_ =	shalt  }
0x5b: {  	_ =	shalt  }
0x5c: {  	_ =	shalt  }
0x5d: {  	_ =	shalt  }
0x5e: {  	_ =	shalt  }
0x5f: {  	_ =	shalt  }
0x60: {  	_ =	shalt  }
0x61: {  	_ =	shalt  }
0x62: {  	_ =	shalt  }
0x63: {  	_ =	shalt  }
0x64: {  	_ =	shalt  }
0x65: {  	_ =	shalt  }
0x66: {  	_ =	shalt  }
0x67: {  	_ =	shalt  }
0x68: {  	_ =	shalt  }
0x69: {  	_ =	shalt  }
0x6a: {  	_ =	shalt  }
0x6b: {  	_ =	shalt  }
0x6c: {  	_ =	shalt  }
0x6d: {  	_ =	shalt  }
0x6e: {  	_ =	shalt  }
0x6f: {  	_ =	shalt  }
0x70: {  	_ =	shalt  }
0x71: {  	_ =	shalt  }
0x72: {  	_ =	shalt  }
0x73: {  	_ =	shalt  }
0x74: {  	_ =	shalt  }
0x75: {  	_ =	shalt  }
0x76: {  	_ =	shalt  }
0x77: {  	_ =	shalt  }
0x78: {  	_ =	shalt  }
0x79: {  	_ =	shalt  }
0x7a: {  	_ =	shalt  }
0x7b: {  	_ =	shalt  }
0x7c: {  	_ =	shalt  }
0x7d: {  	_ =	shalt  }
0x7e: {  	_ =	shalt  }
0x7f: {  	_ =	shalt  }
0x80: {  	_ =	shalt  }
0x81: {  	_ =	shalt  }
0x82: {  	_ =	shalt  }
0x83: {  	_ =	shalt  }
0x84: {  	_ =	shalt  }
0x85: {  	_ =	shalt  }
0x86: {  	_ =	shalt  }
0x87: {  	_ =	shalt  }
.Lfunc_end0:
.L_simem_size_0:
called_computation.1_lowered:
.L_overlay_start_0:
0x88: {  	s2 =	sld [smem:$0x3FD9]  }
0x89: {  	s3 =	sld [smem:$0x3FFE];
	_ =	sdelay $0x1  }
0x8a: {  	s1 =	srdreg.scid  }
0x8b: {  	s0 =	sand.u32 $0x1, s1  }
0x8c: {  	s17 =	sshll.u32 s0, $0xA;
	s2 =	sadd.s32 s3, s2  }
0x8d: {  	s2 =	sadd.s32 s2, s17  }
0x8e: {  	[smem:$0x3FC4] =	sst s2  }
0x8f: {  	_ = 	snop  }
0x90: {  	s18 =	sld [smem:$0x3FD0];
	(tm) =	ssettm $0x1  }
0x91: {  	s19 =	sld [smem:$0x3FFB];
	_ =	sdelay $0x3  }
0x92: {  	_ =	strace s19  }
0x93: {  	s2 =	sld [smem:$0x3FFC];
	_ =	sdelay $0x3  }
0x94: {  	_ =	strace s2  }
0x95: {  	s2 =	sld [smem:$0x3FFD];
	_ =	sdelay $0x3  }
0x96: {  	_ =	strace s2  }
0x97: {  	_ =	strace $0x8FFFFFFF  }
0x98: {  	s20 =	sld [smem:$0x3FDB];
	_ =	sdelay $0x1  }
0x99: {  	s4 =	simm.s32 $_scs_section_size  }
0x9a: {  	s5 =	simm.s32 $_size__tile_overlayer_lowered;
	s6 =	simm.s32 $_tile_overlayer_lowered  }
0x9b: {  	s7 =	simm.s32 $0x1BFF;
	s21 =	sshll.u32 s6, $0x1;
	s4 =	sadd.s32 s4, s20  }
0x9c: {  	s22 =	simm.s32 $0x0;
	s5 =	sshll.u32 s5, $0x1;
	s6 =	sadd.s32 s21, s4  }
0x9d: {  	[timem:s22], [sflag:s7] =	dma.local [hbm:s6], s5  }
0x9e: {  	_ =	swait.ge [sflag:s7], s5  }
0x9f: {  	s5 =	ssub.s32 $0x0, s5;
	[sflag:s7] =	ssyncset.done $0x0  }
0xa0: {  	[sflag:s7] =	ssyncadd.s32 s5;
	_ =	sdelay $0x1  }
0xa1: {  	s23 =	simm.s32 $0x1B8B  }
0xa2: {  	_ =	swait.ge [sflag:s23], $0x1  }
0xa3: {  	[sflag:s23] =	ssyncset.done $0x0  }
0xa4: {  	[sflag:s23] =	ssyncadd.s32 $0xFFFFFFFF  }
0xa5: {  	s5 =	sld [smem:$0x0]  }
0xa6: {  	s6 =	sand.u32 $0xFFFFFFFE, s1  }
0xa7: {  	p0 =	sne.s32 s1, s6  }
0xa8: {  	s6 =	sshll.u32 @p0 s6, $0xE  }
0xa9: {  	s6 =	sadd.s32 @p0 $0x11B8D, s6;
	s7 =	sshll.u32 @p0 s5, $0x11  }
0xaa: {  	s6 =	sor.u32 @p0 s7, s6  }
0xab: {  	[sflag:s6] =	ssyncadd.remote.s32 @p0 $0x1;
	_ =	sdelay $0x1  }
0xac: {  	s6 =	simm.s32 @p0 $0x1B8D  }
0xad: {  	_ =	swait.eq @p0 [sflag:s6], $0x1  }
0xae: {  	[sflag:s6] =	ssyncadd.s32 @p0 $0xFFFFFFFF  }
0xaf: {  	s7 =	sshll.u32 @!p0 s1, $0xE  }
0xb0: {  	s7 =	sor.u32 @!p0 $0x4000, s7;
	s6 =	simm.s32 @!p0 $0x1B8D  }
0xb1: {  	s5 =	sshll.u32 @!p0 s5, $0x11;
	s7 =	sadd.s32 @!p0 $0x11B8D, s7;
	_ =	swait.eq @!p0 [sflag:s6], $0x1  }
0xb2: {  	s5 =	sor.u32 @!p0 s5, s7;
	[sflag:s6] =	ssyncadd.s32 @!p0 $0xFFFFFFFF  }
0xb3: {  	s25 =	simm.s32 $0x1B8E;
	s24 =	sld [smem:$0x3FFE];
	[sflag:s5] =	ssyncadd.remote.s32 @!p0 $0x1  }
0xb4: {  	s26 =	simm.s32 $execute0_lowered;
	[smem:$0x3FD2] =	sst s25  }
0xb5: {  	s6 =	sshll.u32 s26, $0x1;
	_ =	strace $0x8000004C;
	[dreg:$0x1] =	wrdreg $0xFFFFFFFF  }
0xb6: {  	s28 =	simm.s32 $_size_execute0_lowered;
	s4 =	sadd.s32 s4, s6;
	[dreg:$0x0] =	wrdreg $0x0  }
0xb7: {  	s6 =	sshll.u32 s28, $0x1;
	[dreg:$0x2] =	wrdreg s4  }
0xb8: {  	[dreg:$0x3] =	wrdreg s6  }
0xb9: {  	[dreg:$0x4] =	wrdreg $0xC0  }
0xba: {  	_ =	task [dreg:s22], $0x5FFFF  }
0xbb: {  	[dreg:$0x1] =	wrdreg $0xFFFFFFFF  }
0xbc: {  	[dreg:$0x0] =	wrdreg $0x60  }
0xbd: {  	[dreg:$0x2] =	wrdreg s18  }
0xbe: {  	[dreg:$0x3] =	wrdreg s24  }
0xbf: {  	[dreg:$0x4] =	wrdreg $0xA8000  }
0xc0: {  	[dreg:$0x5] =	wrdreg $0x9  }
0xc1: {  	_ =	task.clear_ibuf [dreg:s22], $0x6FFFF;
	_ =	strace $0x9000004C  }
0xc2: {  	s29 =	simm.s32 $0x9;
	_ =	strace $0x8000004E  }
0xc3: {  	_ =	swait.ge [sflag:s29], $0x1  }
0xc4: {  	[sflag:s29] =	ssyncadd.s32 $0xFFFFFFFF  }
0xc5: {  	_ =	strace $0x9000004E  }
0xc6: {  	_ =	sfence  }
0xc7: {  	s30 =	sld [smem:$0x0];
	_ =	sdelay $0x2  }
0xc8: {  	s31 =	sshll.u32 s1, $0xD;
	s1 =	sshrl.u32 s1, $0x2  }
0xc9: {  	s4 =	sand.u32 $0x4000, s31;
	s1 =	sadd.s32 s1, s30  }
0xca: {  	s0 =	sor.u32 s4, s0;
	s1 =	sshll.u32 s1, $0x11  }
0xcb: {  	s0 =	sor.u32 s1, s0  }
0xcc: {  	s0 =	sadd.s32 $0x8F2B, s0  }
0xcd: {  	[sflag:s0] =	ssyncadd.remote.s32 $0x1  }
0xce: {  	_ =	sfence.sel $0xFFFF  }
0xcf: {  	[dreg:$0x0] =	wrdreg $0xFFFFFFFF;
	(pc) =	sbr.abs _section_cstart, $3  }
0xd0: {  	[dreg:$0x1] =	wrdreg $0xFFFFFFFF  }
0xd1: {  	_ =	task.clear_ibuf [dreg:s22], $0x2FFFF;
	_ =	strace $0x9FFFFFFF  }
0xd2: {  	(tm) =	ssettm $0x7FFFFFFF  }
0xd3: {  	_ =	shalt  }
tec
execute0_lowered:
.L_overlay_start_1:
0x0: {  	(tag) =	ssettag $0x1  }
0x1: {  	s12 =	rddreg [dreg:$0x0]  }
0x2: {  	s5 =	rddreg [dreg:$0x1]  }
0x3: {  	s0 =	srdreg.scid;
	s2 =	rddreg [dreg:$0x2]  }
0x4: {  	s1 =	stileid.u32;
	s3 =	simm.s32 $0x0;
	s17 =	simm.s32 $0x5  }
0x5: {  	s18 =	simm.s32 $0x1400;
	s19 =	simm.s32 $0x80;
	s20 =	simm.s32 $0x6800  }
0x6: {  	s21 =	simm.s32 $0x1;
	s22 =	simm.s32 $0x2;
	s23 =	simm.s32 $0x3  }
0x7: {  	s24 =	simm.s32 $0x4;
	s25 =	simm.s32 $0x2700;
	s26 =	simm.s32 $0x2780  }
0x8: {  	s6 =	sand.u32 $0x1, s0;
	s0 =	rddreg [dreg:$0x3];
	s7 =	smul.u32 $0x14000, s1  }
0x9: {  	[smem:$0x7FF] =	sst s3;
	s13 =	sadd.s32 $0x1200, s5;
	s8 =	smul.u32 $0x50000, s1  }
0xa: {  	s4 =	smul.u32 $0x140000, s6;
	_ =	strace $0x8000004D;
	s28 =	sshll.u32 s6, $0x4  }
0xb: {  	s6 =	ssub.s32 $0x2, s6;
	s29 =	sor.u32 s1, s28;
	s30 =	sshrl.u32 s8, $0x2  }
0xc: {  	s31 =	sshrl.u32 s6, $0x1;
	s4 =	sadd.s32 s7, s4;
	s10 =	smul.u32 $0x2800, s29  }
0xd: {  	s15 =	ssub.s32 s6, s31;
	s7 =	sshrl.u32 s4, $0x3;
	s4 =	sadd.s32 $0xB200, s5  }
0xe: {  	s15 =	smax.u32 s15, $0x1;
	s14 =	sadd.s32 s7, s5;
	s5 =	sadd.s32 s30, s2  }
0xf: {  	s16 =	sshrl.u32 s10, $0x3;
	s6 =	sadd.s32 $0x4000, s5;
	s7 =	sadd.s32 $0x8000, s5  }
0x10: {  	s8 =	sadd.s32 $0xC000, s5;
	s9 =	sadd.s32 $0x10000, s5;
	s10 =	sadd.s32 s12, s16  }
0x11: {  	s11 =	sadd.s32 s13, s16;
	s16 =	sadd.s32 $0x280, s16;
	s14 =	sadd.s32 $0x3D800, s14  }
0x12: {  	v0 =	vimm.f32 $0.0e+00;
	s12 =	sadd.s32 s12, s16;
	s13 =	sadd.s32 s13, s16;
	s16 =	simm.s32 $0x2800  }
.LBB2_1:
0x13: {  	s28 =	simm.s32 $0x0;
	s29 =	simm.s32 $0x200  }
.LBB2_2:
0x14: {  	p0 =	sne.s32 s29, $0xFE00;
	[tilespmem:s28+$0x2870] =	vst v0  }
0x15: {  	[tilespmem:s28+$0x2800] =	vst v0  }
0x16: {  	[tilespmem:s28+$0x2810] =	vst v0  }
.Ltmp0:
0x17: {  	[tilespmem:s28+$0x2820] =	vst v0;
	(pc) =	sbr.rel @p0 .LBB2_2-.Ltmp0, $4  }
0x18: {  	[tilespmem:s28+$0x2830] =	vst v0  }
0x19: {  	[tilespmem:s28+$0x2840] =	vst v0  }
0x1a: {  	[tilespmem:s28+$0x2850] =	vst v0  }
0x1b: {  	[tilespmem:s28+$0x2860] =	vst v0;
	s28 =	sshra.s32 s29, $0x2;
	s29 =	sadd.s32 $0x200, s29  }
0x1c: {  	[tilespmem:s28+$0x2870] =	vst v0  }
0x1d: {  	[tilespmem:s28+$0x2800] =	vst v0  }
0x1e: {  	[tilespmem:s28+$0x2810] =	vst v0  }
0x1f: {  	[tilespmem:s28+$0x2820] =	vst v0  }
0x20: {  	[tilespmem:s28+$0x2830] =	vst v0  }
0x21: {  	[tilespmem:s28+$0x2840] =	vst v0  }
0x22: {  	[tilespmem:s28+$0x2850] =	vst v0  }
0x23: {  	[tilespmem:s28+$0x2860] =	vst v0  }
0x24: {  	[spmem:s5] =	stream.linear.scatter [tilespmem:s16], [sflag:$0x5], $0x4000, $0x38;
	[tilespmem:$0x1E800] =	vst v63  }
0x25: {  	_ =	swait.ge [sflag:s17], $0x4000  }
0x26: {  	[sflag:s17] =	ssyncset.done $0x0  }
0x27: {  	[sflag:s17] =	ssyncadd.s32 $0xFFFFC000  }
0x28: {  	[spmem:s6] =	stream.linear.scatter [tilespmem:s16], [sflag:$0x5], $0x4000, $0x38;
	[tilespmem:$0x1E800] =	vst v63  }
0x29: {  	_ =	swait.ge [sflag:s17], $0x4000  }
0x2a: {  	[sflag:s17] =	ssyncset.done $0x0  }
0x2b: {  	[sflag:s17] =	ssyncadd.s32 $0xFFFFC000  }
0x2c: {  	[spmem:s7] =	stream.linear.scatter [tilespmem:s16], [sflag:$0x5], $0x4000, $0x38;
	[tilespmem:$0x1E800] =	vst v63  }
0x2d: {  	_ =	swait.ge [sflag:s17], $0x4000  }
0x2e: {  	[sflag:s17] =	ssyncset.done $0x0  }
0x2f: {  	[sflag:s17] =	ssyncadd.s32 $0xFFFFC000  }
0x30: {  	[spmem:s8] =	stream.linear.scatter [tilespmem:s16], [sflag:$0x5], $0x4000, $0x38;
	[tilespmem:$0x1E800] =	vst v63  }
0x31: {  	_ =	swait.ge [sflag:s17], $0x4000  }
0x32: {  	[sflag:s17] =	ssyncset.done $0x0  }
0x33: {  	[sflag:s17] =	ssyncadd.s32 $0xFFFFC000  }
0x34: {  	[spmem:s9] =	stream.linear.scatter [tilespmem:s16], [sflag:$0x5], $0x4000, $0x38;
	[tilespmem:$0x1E800] =	vst v63  }
0x35: {  	_ =	swait.ge [sflag:s17], $0x4000  }
0x36: {  	[sflag:s17] =	ssyncset.done $0x0  }
0x37: {  	[sflag:s17] =	ssyncadd.s32 $0xFFFFC000  }
0x38: {  	s28 =	simm.s32 $0x0;
	[bflag:$0x0] =	sbarrier.arrive $0xFFFF  }
0x39: {  	[tilespmem:s28], [sflag:$0x5] =	stream.linear.gather [hbm4b:s10+s28], $0x1400, $0x38;
	[tilespmem:$0x1E800] =	vst v63  }
0x3a: {  	_ =	swait.ge [sflag:s17], $0x1400  }
0x3b: {  	[sflag:s17] =	ssyncset.done $0x0  }
0x3c: {  	[sflag:s17] =	ssyncadd.s32 $0xFFFFEC00  }
0x3d: {  	[tilespmem:s18], [sflag:$0x5] =	stream.linear.gather [hbm4b:s11+s28], $0x1400, $0x38;
	[tilespmem:$0x1E800] =	vst v63  }
0x3e: {  	_ =	swait.ge [sflag:s17], $0x1400  }
0x3f: {  	[sflag:s17] =	ssyncset.done $0x0  }
0x40: {  	[sflag:s17] =	ssyncadd.s32 $0xFFFFEC00  }
0x41: {  	[tilespmem:s16], [sflag:$0x1] =	stream.indirect.gather [hbm4b:s4+s19], $0x80, s28, s19, $0xb8;
	[tilespmem:$0x1E800] =	vst v63  }
0x42: {  	_ = 	snop  }
0x43: {  	[tilespmem:s20], [sflag:$0x2] =	stream.indirect.gather [hbm4b:s4+s19], $0x80, s19, s19, $0xb8;
	[tilespmem:$0x1E800] =	vst v63  }
0x44: {  	_ =	swait.ge [sflag:s21], $0x4000  }
0x45: {  	[sflag:s21] =	ssyncset.done $0x0  }
0x46: {  	s28 =	simm.s32 $0x1400;
	[sflag:s21] =	ssyncadd.s32 $0xFFFFC000  }
0x47: {  	[spmem:s2] =	stream.indirect.scatter.add.f32 [tilespmem:s16], [sflag:$0x3], $0x80, s28, s19, $0xb8;
	[tilespmem:$0x1E800] =	vst v63  }
0x48: {  	_ =	swait.ge [sflag:s22], $0x4000  }
0x49: {  	[sflag:s22] =	ssyncset.done $0x0  }
0x4a: {  	s28 =	simm.s32 $0x1480;
	[sflag:s22] =	ssyncadd.s32 $0xFFFFC000  }
0x4b: {  	[spmem:s2] =	stream.indirect.scatter.add.f32 [tilespmem:s20], [sflag:$0x4], $0x80, s28, s19, $0xb8;
	[tilespmem:$0x1E800] =	vst v63  }
0x4c: {  	_ =	swait.ge [sflag:s23], $0x4000  }
0x4d: {  	[sflag:s23] =	ssyncset.done $0x0  }
0x4e: {  	s28 =	simm.s32 $0x100;
	[sflag:s23] =	ssyncadd.s32 $0xFFFFC000  }
0x4f: {  	[tilespmem:s16], [sflag:$0x1] =	stream.indirect.gather [hbm4b:s4+s19], $0x80, s28, s19, $0xb8;
	[tilespmem:$0x1E800] =	vst v63  }
0x50: {  	_ =	swait.ge [sflag:s24], $0x4000  }
0x51: {  	[sflag:s24] =	ssyncset.done $0x0  }
0x52: {  	s29 =	simm.s32 $0x180;
	s28 =	simm.s32 $0x400;
	[sflag:s24] =	ssyncadd.s32 $0xFFFFC000  }
.LBB2_4:
0x53: {  	[tilespmem:s20], [sflag:$0x2] =	stream.indirect.gather [hbm4b:s4+s19], $0x80, s29, s19, $0xb8;
	[tilespmem:$0x1E800] =	vst v63  }
0x54: {  	s29 =	smov.u32 s28  }
0x55: {  	p0 =	sne.s32 s28, $0x4800;
	s28 =	sadd.s32 $0x400, s28;
	_ =	swait.ge [sflag:s21], $0x4000  }
0x56: {  	s29 =	sshra.s32 s29, $0x2;
	[sflag:s21] =	ssyncset.done $0x0  }
0x57: {  	s30 =	sadd.s32 $0x1400, s29;
	[sflag:s21] =	ssyncadd.s32 $0xFFFFC000  }
0x58: {  	[spmem:s2] =	stream.indirect.scatter.add.f32 [tilespmem:s16], [sflag:$0x3], $0x80, s30, s19, $0xb8;
	[tilespmem:$0x1E800] =	vst v63  }
0x59: {  	_ =	swait.ge [sflag:s22], $0x4000  }
0x5a: {  	[sflag:s22] =	ssyncset.done $0x0  }
0x5b: {  	s30 =	sadd.s32 $0x1480, s29;
	[sflag:s22] =	ssyncadd.s32 $0xFFFFC000  }
0x5c: {  	[spmem:s2] =	stream.indirect.scatter.add.f32 [tilespmem:s20], [sflag:$0x4], $0x80, s30, s19, $0xb8;
	[tilespmem:$0x1E800] =	vst v63  }
0x5d: {  	_ =	swait.ge [sflag:s23], $0x4000  }
0x5e: {  	[sflag:s23] =	ssyncset.done $0x0  }
.Ltmp1:
0x5f: {  	s30 =	sadd.s32 $0x100, s29;
	[sflag:s23] =	ssyncadd.s32 $0xFFFFC000;
	(pc) =	sbr.rel @p0 .LBB2_4-.Ltmp1, $4  }
0x60: {  	[tilespmem:s16], [sflag:$0x1] =	stream.indirect.gather [hbm4b:s4+s19], $0x80, s30, s19, $0xb8;
	[tilespmem:$0x1E800] =	vst v63  }
0x61: {  	_ =	swait.ge [sflag:s24], $0x4000  }
0x62: {  	[sflag:s24] =	ssyncset.done $0x0  }
0x63: {  	s29 =	sadd.s32 $0x180, s29;
	[sflag:s24] =	ssyncadd.s32 $0xFFFFC000  }
0x64: {  	[tilespmem:s20], [sflag:$0x2] =	stream.indirect.gather [hbm4b:s4+s19], $0x80, s29, s19, $0xb8;
	[tilespmem:$0x1E800] =	vst v63  }
0x65: {  	_ =	swait.ge [sflag:s21], $0x4000  }
0x66: {  	[sflag:s21] =	ssyncset.done $0x0  }
0x67: {  	[sflag:s21] =	ssyncadd.s32 $0xFFFFC000  }
0x68: {  	[spmem:s2] =	stream.indirect.scatter.add.f32 [tilespmem:s16], [sflag:$0x3], $0x80, s25, s19, $0xb8;
	[tilespmem:$0x1E800] =	vst v63  }
0x69: {  	_ =	swait.ge [sflag:s22], $0x4000  }
0x6a: {  	[sflag:s22] =	ssyncset.done $0x0  }
0x6b: {  	[sflag:s22] =	ssyncadd.s32 $0xFFFFC000  }
0x6c: {  	[spmem:s2] =	stream.indirect.scatter.add.f32 [tilespmem:s20], [sflag:$0x4], $0x80, s26, s19, $0xb8;
	[tilespmem:$0x1E800] =	vst v63  }
0x6d: {  	_ =	swait.ge [sflag:s23], $0x4000  }
0x6e: {  	[sflag:s23] =	ssyncset.done $0x0  }
0x6f: {  	[sflag:s23] =	ssyncadd.s32 $0xFFFFC000  }
0x70: {  	_ =	swait.ge [sflag:s24], $0x4000  }
0x71: {  	[sflag:s24] =	ssyncset.done $0x0  }
0x72: {  	s28 =	simm.s32 $0x0;
	[sflag:s24] =	ssyncadd.s32 $0xFFFFC000  }
0x73: {  	[tilespmem:s28], [sflag:$0x5] =	stream.linear.gather [hbm4b:s12+s28], $0x1400, $0x38;
	[tilespmem:$0x1E800] =	vst v63  }
0x74: {  	_ =	swait.ge [sflag:s17], $0x1400  }
0x75: {  	[sflag:s17] =	ssyncset.done $0x0  }
0x76: {  	[sflag:s17] =	ssyncadd.s32 $0xFFFFEC00  }
0x77: {  	[tilespmem:s18], [sflag:$0x5] =	stream.linear.gather [hbm4b:s13+s28], $0x1400, $0x38;
	[tilespmem:$0x1E800] =	vst v63  }
0x78: {  	_ =	swait.ge [sflag:s17], $0x1400  }
0x79: {  	[sflag:s17] =	ssyncset.done $0x0  }
0x7a: {  	[sflag:s17] =	ssyncadd.s32 $0xFFFFEC00  }
0x7b: {  	[tilespmem:s16], [sflag:$0x1] =	stream.indirect.gather [hbm4b:s4+s19], $0x80, s28, s19, $0xb8;
	[tilespmem:$0x1E800] =	vst v63  }
0x7c: {  	_ = 	snop  }
0x7d: {  	[tilespmem:s20], [sflag:$0x2] =	stream.indirect.gather [hbm4b:s4+s19], $0x80, s19, s19, $0xb8;
	[tilespmem:$0x1E800] =	vst v63  }
0x7e: {  	_ =	swait.ge [sflag:s21], $0x4000  }
0x7f: {  	[sflag:s21] =	ssyncset.done $0x0  }
0x80: {  	s28 =	simm.s32 $0x1400;
	[sflag:s21] =	ssyncadd.s32 $0xFFFFC000  }
0x81: {  	[spmem:s2] =	stream.indirect.scatter.add.f32 [tilespmem:s16], [sflag:$0x3], $0x80, s28, s19, $0xb8;
	[tilespmem:$0x1E800] =	vst v63  }
0x82: {  	_ =	swait.ge [sflag:s22], $0x4000  }
0x83: {  	[sflag:s22] =	ssyncset.done $0x0  }
0x84: {  	s28 =	simm.s32 $0x1480;
	[sflag:s22] =	ssyncadd.s32 $0xFFFFC000  }
0x85: {  	[spmem:s2] =	stream.indirect.scatter.add.f32 [tilespmem:s20], [sflag:$0x4], $0x80, s28, s19, $0xb8;
	[tilespmem:$0x1E800] =	vst v63  }
0x86: {  	_ =	swait.ge [sflag:s23], $0x4000  }
0x87: {  	[sflag:s23] =	ssyncset.done $0x0  }
0x88: {  	s28 =	simm.s32 $0x100;
	[sflag:s23] =	ssyncadd.s32 $0xFFFFC000  }
0x89: {  	[tilespmem:s16], [sflag:$0x1] =	stream.indirect.gather [hbm4b:s4+s19], $0x80, s28, s19, $0xb8;
	[tilespmem:$0x1E800] =	vst v63  }
0x8a: {  	_ =	swait.ge [sflag:s24], $0x4000  }
0x8b: {  	[sflag:s24] =	ssyncset.done $0x0  }
0x8c: {  	s29 =	simm.s32 $0x180;
	s28 =	simm.s32 $0x400;
	[sflag:s24] =	ssyncadd.s32 $0xFFFFC000  }
.LBB2_6:
0x8d: {  	[tilespmem:s20], [sflag:$0x2] =	stream.indirect.gather [hbm4b:s4+s19], $0x80, s29, s19, $0xb8;
	[tilespmem:$0x1E800] =	vst v63  }
0x8e: {  	s29 =	smov.u32 s28  }
0x8f: {  	p0 =	sne.s32 s28, $0x4800;
	s28 =	sadd.s32 $0x400, s28;
	_ =	swait.ge [sflag:s21], $0x4000  }
0x90: {  	s29 =	sshra.s32 s29, $0x2;
	[sflag:s21] =	ssyncset.done $0x0  }
0x91: {  	s30 =	sadd.s32 $0x1400, s29;
	[sflag:s21] =	ssyncadd.s32 $0xFFFFC000  }
0x92: {  	[spmem:s2] =	stream.indirect.scatter.add.f32 [tilespmem:s16], [sflag:$0x3], $0x80, s30, s19, $0xb8;
	[tilespmem:$0x1E800] =	vst v63  }
0x93: {  	_ =	swait.ge [sflag:s22], $0x4000  }
0x94: {  	[sflag:s22] =	ssyncset.done $0x0  }
0x95: {  	s30 =	sadd.s32 $0x1480, s29;
	[sflag:s22] =	ssyncadd.s32 $0xFFFFC000  }
0x96: {  	[spmem:s2] =	stream.indirect.scatter.add.f32 [tilespmem:s20], [sflag:$0x4], $0x80, s30, s19, $0xb8;
	[tilespmem:$0x1E800] =	vst v63  }
0x97: {  	_ =	swait.ge [sflag:s23], $0x4000  }
0x98: {  	[sflag:s23] =	ssyncset.done $0x0  }
.Ltmp2:
0x99: {  	s30 =	sadd.s32 $0x100, s29;
	[sflag:s23] =	ssyncadd.s32 $0xFFFFC000;
	(pc) =	sbr.rel @p0 .LBB2_6-.Ltmp2, $4  }
0x9a: {  	[tilespmem:s16], [sflag:$0x1] =	stream.indirect.gather [hbm4b:s4+s19], $0x80, s30, s19, $0xb8;
	[tilespmem:$0x1E800] =	vst v63  }
0x9b: {  	_ =	swait.ge [sflag:s24], $0x4000  }
0x9c: {  	[sflag:s24] =	ssyncset.done $0x0  }
0x9d: {  	s29 =	sadd.s32 $0x180, s29;
	[sflag:s24] =	ssyncadd.s32 $0xFFFFC000  }
0x9e: {  	[tilespmem:s20], [sflag:$0x2] =	stream.indirect.gather [hbm4b:s4+s19], $0x80, s29, s19, $0xb8;
	[tilespmem:$0x1E800] =	vst v63  }
0x9f: {  	_ =	swait.ge [sflag:s21], $0x4000  }
0xa0: {  	[sflag:s21] =	ssyncset.done $0x0  }
0xa1: {  	[sflag:s21] =	ssyncadd.s32 $0xFFFFC000  }
0xa2: {  	[spmem:s2] =	stream.indirect.scatter.add.f32 [tilespmem:s16], [sflag:$0x3], $0x80, s25, s19, $0xb8;
	[tilespmem:$0x1E800] =	vst v63  }
0xa3: {  	_ =	swait.ge [sflag:s22], $0x4000  }
0xa4: {  	[sflag:s22] =	ssyncset.done $0x0  }
0xa5: {  	[sflag:s22] =	ssyncadd.s32 $0xFFFFC000  }
0xa6: {  	[spmem:s2] =	stream.indirect.scatter.add.f32 [tilespmem:s20], [sflag:$0x4], $0x80, s26, s19, $0xb8;
	[tilespmem:$0x1E800] =	vst v63  }
0xa7: {  	_ =	swait.ge [sflag:s23], $0x4000  }
0xa8: {  	[sflag:s23] =	ssyncset.done $0x0  }
0xa9: {  	[sflag:s23] =	ssyncadd.s32 $0xFFFFC000  }
0xaa: {  	_ =	swait.ge [sflag:s24], $0x4000  }
0xab: {  	s28 =	sshll.u32 s1, $0x6;
	s3 =	sadd.s32 $0x1, s3;
	[sflag:s24] =	ssyncset.done $0x0  }
0xac: {  	s31 =	sshrl.u32 s5, $0x3;
	p0 =	sne.s32 s3, s15;
	[sflag:s24] =	ssyncadd.s32 $0xFFFFC000  }
.Ltmp3:
0xad: {  	s28 =	sor.u32 $0x1C05, s28;
	[bflag:$0x0] =	sbarrier.arrive $0xFFFF;
	(pc) =	sbr.rel @p0 .LBB2_1-.Ltmp3, $4  }
0xae: {  	[hbm:s14], [sflag:s28] =	dma.local [spmem:s31], $0x2800  }
0xaf: {  	_ =	swait.ge [sflag:s17], $0x2800  }
0xb0: {  	[sflag:s17] =	ssyncset.done $0x0  }
0xb1: {  	[sflag:s17] =	ssyncadd.s32 $0xFFFFD800  }
0xb2: {  	_ =	sfence.sel $0x180000  }
0xb3: {  	[bflag:$0x0] =	sbarrier.arrive $0xFFFF  }
0xb4: {  	p0 =	sne.s32 s1, $0x0;
	_ =	strace $0x9000004D  }
0xb5: {  	s0 =	sadd.s32 @!p0 $0x100000, s0;
	[bflag:$0x2] =	sbarrier.arrive $0xFFFF  }
0xb6: {  	[sflag:s0] =	ssyncadd.tile.s32 @!p0 $0x1;
	_ =	shalt  }
.Lfunc_end2:
_tile_overlayer_lowered:
.L_overlay_start_2:
0xb7: {  	(tag) =	ssettag $0x2  }
0xb8: {  	s0 =	rddreg [dreg:$0x0];
	s2 =	stileid.u32  }
0xb9: {  	s1 =	rddreg [dreg:$0x1];
	p0 =	sne.s32 s2, $0x0  }
0xba: {  	s3 =	rddreg [dreg:$0x2];
	[bflag:$0x3] =	sbarrier.arrive $0xFFFF;
	s2 =	simm.s32 @!p0 $0x1C05  }
0xbb: {  	[timem:s3], [sflag:s2] =	dma.local @!p0 [hbm:s0], s1  }
0xbc: {  	s0 =	simm.s32 @!p0 $0x5  }
0xbd: {  	_ =	swait.ge @!p0 [sflag:s0], s1  }
0xbe: {  	s1 =	ssub.s32 @!p0 $0x0, s1;
	[sflag:s0] =	ssyncset.done @!p0 $0x0  }
0xbf: {  	[sflag:s0] =	ssyncadd.s32 @!p0 s1  }
0xc0: {  	[bflag:$0x3] =	sbarrier.arrive $0xFFFF  }
0xc1: {  	_ =	shalt  }

// kernel: kernel.13.cloned.1.call-start
scs
__scs_entry_jumppad:
0x0: {  	(pc) =	sbr.rel $0x88, $3  }
0x1: {  	(tag) =	ssettag $0x0;
	lr =	simm.s32 $0x1  }
0x2: {  	[smem:$0x3F9D] =	sst lr;
	_ =	strace $0xD0000000  }
0x3: {  	_ = 	snop  }
0x4: {  	_ = 	snop  }
0x5: {  	_ = 	snop  }
0x6: {  	_ = 	snop  }
0x7: {  	_ = 	snop  }
__scs_overlays_trampoline_lowered:
0x8: {  	[smem:$0x3FAC] =	sst s0  }
0x9: {  	[smem:$0x3FAD] =	sst s1  }
0xa: {  	[smem:$0x3FAE] =	sst s2  }
0xb: {  	[smem:$0x3FAF] =	sst s3  }
0xc: {  	[smem:$0x3FB0] =	sst s4  }
0xd: {  	[smem:$0x3FB1] =	sst s5  }
0xe: {  	[smem:$0x3FB2] =	sst s6  }
0xf: {  	[smem:$0x3FB3] =	sst s7  }
0x10: {  	[smem:$0x3FB4] =	sst s8  }
0x11: {  	[smem:$0x3FB5] =	sst s9;
	s0 =	simm.s32 @!p0 $0x0  }
0x12: {  	s1 =	sld [smem:$0x3F9B];
	s0 =	simm.s32 @p0 $0x1  }
0x13: {  	[smem:$0x3FB6] =	sst s0;
	s0 =	simm.s32 @!p1 $0x0  }
0x14: {  	s2 =	sld [smem:$0x3F9A];
	s0 =	simm.s32 @p1 $0x1  }
0x15: {  	[smem:$0x3FB7] =	sst s0;
	s0 =	simm.s32 @!p2 $0x0  }
0x16: {  	s3 =	sld [smem:$0x3FDB];
	s0 =	simm.s32 @p2 $0x1  }
0x17: {  	s4 =	simm.s32 $0x1BF5;
	[smem:$0x3FB9] =	sst s0  }
0x18: {  	s0 =	sld [smem:$0x3F9C];
	_ =	swait.ge [sflag:s4], $0x0  }
0x19: {  	s7 =	sld [smem:$0x3F9D]  }
0x1a: {  	s8 =	sadd.s32 $0xFFFFE003, lr  }
0x1b: {  	s9 =	sadd.s32 $0xFFFFFEF7, lr;
	s5 =	simm.s32 $0xFFFFFFFF;
	p2 =	slt.u32 s8, $0xFFFFF086  }
0x1c: {  	p1 =	slt.u32 s9, $0xF7A;
	s5 =	simm.s32 @!p2 $0x0  }
0x1d: {  	s5 =	simm.s32 @p1 $0x1;
	p0 =	seq.s32 s7, s2  }
0x1e: {  	s7 =	smul.u32 @!p0 $0xF7A, s2;
	p2 =	seq.s32 @!p0 s5, $0x0  }
0x1f: {  	s9 =	smul.u32 $0xF7A, s1;
	s8 =	simm.s32 @!p0 $0x1BF5;
	p2 =	por !p2, p0  }
0x20: {  	[sflag:s8] =	ssyncset.s32 @!p0 $0xFFFFF086;
	s6 =	sadd.s32 @!p0 s3, s7;
	s7 =	simm.s32 @!p0 $0x108  }
0x21: {  	s3 =	sadd.s32 s3, s9;
	s6 =	sadd.s32 @!p0 $0x88, s6;
	s7 =	simm.s32 @p2 $0x1082  }
0x22: {  	[simem:s7], [sflag:s8] =	dma.local @!p0 [hbm:s6], $0xF7A  }
0x23: {  	s9 =	sor.u32 $0xD0000000, s2;
	s6 =	simm.s32 $0x108;
	_ =	swait.ge @!p0 [sflag:s8], $0x0  }
0x24: {  	s3 =	sadd.s32 $0x88, s3;
	s6 =	simm.s32 @!p1 $0x1082;
	[sflag:s4] =	ssyncset.s32 $0xFFFFF086  }
0x25: {  	[simem:s6], [sflag:s4] =	dma.local [hbm:s3], $0xF7A  }
0x26: {  	[smem:$0x3F9D] =	sst s1;
	(tag) =	ssettag s2;
	_ =	strace s9  }
0x27: {  	s1 =	sld [smem:$0x3FAD]  }
0x28: {  	s2 =	sld [smem:$0x3FAE]  }
0x29: {  	s4 =	sld [smem:$0x3FB0]  }
0x2a: {  	p0 =	seq.s32 s5, $0x0;
	s5 =	sld [smem:$0x3FB1]  }
0x2b: {  	s6 =	sld [smem:$0x3FB2]  }
0x2c: {  	s7 =	sld [smem:$0x3FB3]  }
0x2d: {  	s3 =	simm.s32 $0x108;
	s8 =	sld [smem:$0x3FB4]  }
0x2e: {  	s3 =	simm.s32 @!p0 $0x1082;
	s9 =	sld [smem:$0x3FB5]  }
0x2f: {  	lr =	sadd.s32 s0, s3;
	s0 =	sld [smem:$0x3FAC]  }
0x30: {  	s3 =	sld [smem:$0x3FAF]  }
0x31: {  	[smem:$0x3FB8] =	sst s10  }
0x32: {  	s10 =	sld [smem:$0x3FB6];
	_ =	sdelay $0x3  }
0x33: {  	p0 =	seq.s32 s10, $0x1;
	s10 =	sld [smem:$0x3FB8];
	_ =	sdelay $0x3  }
0x34: {  	[smem:$0x3FB8] =	sst s10  }
0x35: {  	s10 =	sld [smem:$0x3FB7];
	_ =	sdelay $0x3  }
0x36: {  	p1 =	seq.s32 s10, $0x1;
	s10 =	sld [smem:$0x3FB8];
	_ =	sdelay $0x3  }
0x37: {  	[smem:$0x3FB8] =	sst s10  }
0x38: {  	s10 =	sld [smem:$0x3FB9]  }
0x39: {  	_ = 	snop;
	(pc) =	sbr.ind lr, $3  }
0x3a: {  	_ = 	snop  }
0x3b: {  	_ = 	snop  }
0x3c: {  	p2 =	seq.s32 s10, $0x1;
	s10 =	sld [smem:$0x3FB8]  }
0x3d: {  	_ =	shalt  }
0x3e: {  	_ =	shalt  }
0x3f: {  	_ =	shalt  }
0x40: {  	_ =	shalt  }
0x41: {  	_ =	shalt  }
0x42: {  	_ =	shalt  }
0x43: {  	_ =	shalt  }
0x44: {  	_ =	shalt  }
0x45: {  	_ =	shalt  }
0x46: {  	_ =	shalt  }
0x47: {  	_ =	shalt  }
0x48: {  	_ =	shalt  }
0x49: {  	_ =	shalt  }
0x4a: {  	_ =	shalt  }
0x4b: {  	_ =	shalt  }
0x4c: {  	_ =	shalt  }
0x4d: {  	_ =	shalt  }
0x4e: {  	_ =	shalt  }
0x4f: {  	_ =	shalt  }
0x50: {  	_ =	shalt  }
0x51: {  	_ =	shalt  }
0x52: {  	_ =	shalt  }
0x53: {  	_ =	shalt  }
0x54: {  	_ =	shalt  }
0x55: {  	_ =	shalt  }
0x56: {  	_ =	shalt  }
0x57: {  	_ =	shalt  }
0x58: {  	_ =	shalt  }
0x59: {  	_ =	shalt  }
0x5a: {  	_ =	shalt  }
0x5b: {  	_ =	shalt  }
0x5c: {  	_ =	shalt  }
0x5d: {  	_ =	shalt  }
0x5e: {  	_ =	shalt  }
0x5f: {  	_ =	shalt  }
0x60: {  	_ =	shalt  }
0x61: {  	_ =	shalt  }
0x62: {  	_ =	shalt  }
0x63: {  	_ =	shalt  }
0x64: {  	_ =	shalt  }
0x65: {  	_ =	shalt  }
0x66: {  	_ =	shalt  }
0x67: {  	_ =	shalt  }
0x68: {  	_ =	shalt  }
0x69: {  	_ =	shalt  }
0x6a: {  	_ =	shalt  }
0x6b: {  	_ =	shalt  }
0x6c: {  	_ =	shalt  }
0x6d: {  	_ =	shalt  }
0x6e: {  	_ =	shalt  }
0x6f: {  	_ =	shalt  }
0x70: {  	_ =	shalt  }
0x71: {  	_ =	shalt  }
0x72: {  	_ =	shalt  }
0x73: {  	_ =	shalt  }
0x74: {  	_ =	shalt  }
0x75: {  	_ =	shalt  }
0x76: {  	_ =	shalt  }
0x77: {  	_ =	shalt  }
0x78: {  	_ =	shalt  }
0x79: {  	_ =	shalt  }
0x7a: {  	_ =	shalt  }
0x7b: {  	_ =	shalt  }
0x7c: {  	_ =	shalt  }
0x7d: {  	_ =	shalt  }
0x7e: {  	_ =	shalt  }
0x7f: {  	_ =	shalt  }
0x80: {  	_ =	shalt  }
0x81: {  	_ =	shalt  }
0x82: {  	_ =	shalt  }
0x83: {  	_ =	shalt  }
0x84: {  	_ =	shalt  }
0x85: {  	_ =	shalt  }
0x86: {  	_ =	shalt  }
0x87: {  	_ =	shalt  }
.Lfunc_end0:
.L_simem_size_0:
called_computation.2_lowered:
.L_overlay_start_0:
0x88: {  	s2 =	sld [smem:$0x3FD9]  }
0x89: {  	s3 =	sld [smem:$0x3FFE];
	_ =	sdelay $0x1  }
0x8a: {  	s1 =	srdreg.scid  }
0x8b: {  	s0 =	sand.u32 $0x1, s1  }
0x8c: {  	s17 =	sshll.u32 s0, $0xA;
	s2 =	sadd.s32 s3, s2  }
0x8d: {  	s2 =	sadd.s32 s2, s17  }
0x8e: {  	[smem:$0x3FC4] =	sst s2  }
0x8f: {  	_ = 	snop  }
0x90: {  	s2 =	sld [smem:$0x3FD0];
	(tm) =	ssettm $0x1  }
0x91: {  	s18 =	sld [smem:$0x3FFB];
	_ =	sdelay $0x3  }
0x92: {  	_ =	strace s18  }
0x93: {  	s3 =	sld [smem:$0x3FFC];
	_ =	sdelay $0x3  }
0x94: {  	_ =	strace s3  }
0x95: {  	s3 =	sld [smem:$0x3FFD];
	_ =	sdelay $0x3  }
0x96: {  	_ =	strace s3  }
0x97: {  	_ =	strace $0x8FFFFFFF  }
0x98: {  	s19 =	sld [smem:$0x3FDB];
	_ =	sdelay $0x1  }
0x99: {  	s4 =	simm.s32 $_scs_section_size  }
0x9a: {  	s5 =	simm.s32 $_size__tile_overlayer_lowered;
	s6 =	simm.s32 $_tile_overlayer_lowered  }
0x9b: {  	s22 =	simm.s32 $0x1BFF;
	s21 =	sshll.u32 s6, $0x1;
	s3 =	sadd.s32 s4, s19  }
0x9c: {  	s7 =	simm.s32 $0x0;
	s20 =	sshll.u32 s5, $0x1;
	s5 =	sadd.s32 s21, s3  }
0x9d: {  	[timem:s7], [sflag:s22] =	dma.local [hbm:s5], s20  }
0x9e: {  	_ =	swait.ge [sflag:s22], s20  }
0x9f: {  	s4 =	ssub.s32 $0x0, s20;
	[sflag:s22] =	ssyncset.done $0x0  }
0xa0: {  	[sflag:s22] =	ssyncadd.s32 s4;
	_ =	sdelay $0x1  }
0xa1: {  	s23 =	simm.s32 $0x1B8B  }
0xa2: {  	_ =	swait.ge [sflag:s23], $0x1  }
0xa3: {  	[sflag:s23] =	ssyncset.done $0x0  }
0xa4: {  	s25 =	simm.s32 $0x1B8E;
	s24 =	sld [smem:$0x3FFE];
	[sflag:s23] =	ssyncadd.s32 $0xFFFFFFFF  }
0xa5: {  	s26 =	simm.s32 $execute0_lowered;
	[smem:$0x3FD2] =	sst s25  }
0xa6: {  	s5 =	sshll.u32 s26, $0x1;
	_ =	strace $0x80000049;
	[dreg:$0x1] =	wrdreg $0xFFFFFFFF  }
0xa7: {  	s28 =	simm.s32 $_size_execute0_lowered;
	s3 =	sadd.s32 s3, s5;
	[dreg:$0x0] =	wrdreg $0x0  }
0xa8: {  	s5 =	sshll.u32 s28, $0x1;
	[dreg:$0x2] =	wrdreg s3  }
0xa9: {  	[dreg:$0x3] =	wrdreg s5  }
0xaa: {  	[dreg:$0x4] =	wrdreg $0xC0  }
0xab: {  	_ =	task [dreg:s7], $0x5FFFF  }
0xac: {  	[dreg:$0x1] =	wrdreg $0xFFFFFFFF  }
0xad: {  	[dreg:$0x0] =	wrdreg $0x60  }
0xae: {  	[dreg:$0x2] =	wrdreg s2  }
0xaf: {  	[dreg:$0x3] =	wrdreg s24  }
0xb0: {  	[dreg:$0x4] =	wrdreg $0xA  }
0xb1: {  	_ =	task.clear_ibuf [dreg:s7], $0x5FFFF;
	_ =	strace $0x90000049  }
0xb2: {  	s29 =	simm.s32 $0xA;
	_ =	strace $0x8000004B  }
0xb3: {  	_ =	swait.ge [sflag:s29], $0x1  }
0xb4: {  	[sflag:s29] =	ssyncadd.s32 $0xFFFFFFFF  }
0xb5: {  	_ =	strace $0x9000004B  }
0xb6: {  	_ =	sfence  }
0xb7: {  	s30 =	sld [smem:$0x0];
	_ =	sdelay $0x2  }
0xb8: {  	s31 =	sshll.u32 s1, $0xD;
	s1 =	sshrl.u32 s1, $0x2  }
0xb9: {  	s3 =	sand.u32 $0x4000, s31;
	s1 =	sadd.s32 s1, s30  }
0xba: {  	s0 =	sor.u32 s3, s0;
	s1 =	sshll.u32 s1, $0x11  }
0xbb: {  	s0 =	sor.u32 s1, s0  }
0xbc: {  	s0 =	sadd.s32 $0x8F2B, s0  }
0xbd: {  	[sflag:s0] =	ssyncadd.remote.s32 $0x1  }
0xbe: {  	_ =	sfence.sel $0xFFFF  }
0xbf: {  	[dreg:$0x0] =	wrdreg $0xFFFFFFFF;
	(pc) =	sbr.abs _section_cstart, $3  }
0xc0: {  	[dreg:$0x1] =	wrdreg $0xFFFFFFFF  }
0xc1: {  	_ =	task.clear_ibuf [dreg:s7], $0x2FFFF;
	_ =	strace $0x9FFFFFFF  }
0xc2: {  	(tm) =	ssettm $0x7FFFFFFF  }
0xc3: {  	_ =	shalt  }
tec
execute0_lowered:
.L_overlay_start_1:
0x0: {  	(tag) =	ssettag $0x1  }
0x1: {  	s0 =	srdreg.scid;
	s4 =	rddreg [dreg:$0x0]  }
0x2: {  	s5 =	rddreg [dreg:$0x1];
	s1 =	stileid.u32;
	s2 =	simm.s32 $0x0  }
0x3: {  	s10 =	simm.s32 $0x5000;
	s11 =	simm.s32 $0x7800;
	s3 =	sand.u32 $0x1, s0  }
0x4: {  	s12 =	simm.s32 $0x0;
	s0 =	rddreg [dreg:$0x2];
	s6 =	sshll.u32 s3, $0x4  }
0x5: {  	[smem:$0x7FF] =	sst s2;
	s7 =	ssub.s32 $0x2, s3;
	s6 =	sor.u32 s1, s6  }
0x6: {  	_ =	strace $0x8000004A;
	s8 =	sshrl.u32 s7, $0x1;
	s6 =	smul.u32 $0x500, s6  }
0x7: {  	s3 =	sadd.s32 $0x33200, s5;
	s7 =	ssub.s32 s7, s8;
	s8 =	simm.s32 $0x1  }
0x8: {  	s7 =	smax.u32 s7, $0x1;
	s9 =	sadd.s32 s6, s5;
	s4 =	sadd.s32 s4, s6  }
0x9: {  	v0 =	vimm.f32 $0.0e+00;
	s5 =	sadd.s32 $0x1200, s9;
	s6 =	sadd.s32 $0x33800, s9;
	s9 =	simm.s32 $0x2800  }
.LBB2_1:
0xa: {  	[tilespmem:s2], [sflag:$0x1] =	stream.linear.gather [hbm4b:s4+s2], $0x2800, $0x38;
	[tilespmem:$0xA000] =	vst v63  }
0xb: {  	_ =	swait.ge [sflag:s8], $0x2800  }
0xc: {  	[sflag:s8] =	ssyncset.done $0x0  }
0xd: {  	[sflag:s8] =	ssyncadd.s32 $0xFFFFD800  }
0xe: {  	[tilespmem:s9], [sflag:$0x1] =	stream.linear.gather [hbm4b:s5+s2], $0x2800, $0x38;
	[tilespmem:$0xA000] =	vst v63  }
0xf: {  	_ =	swait.ge [sflag:s8], $0x2800  }
0x10: {  	[sflag:s8] =	ssyncset.done $0x0  }
0x11: {  	[sflag:s8] =	ssyncadd.s32 $0xFFFFD800  }
0x12: {  	[tilespmem:s10], [sflag:$0x1] =	stream.linear.gather [hbm4b:s3+s2], $0x2800, $0x38;
	[tilespmem:$0xA000] =	vst v63  }
0x13: {  	_ =	swait.ge [sflag:s8], $0x2800  }
0x14: {  	[sflag:s8] =	ssyncset.done $0x0  }
0x15: {  	s13 =	simm.s32 $0x0;
	[sflag:s8] =	ssyncadd.s32 $0xFFFFD800  }
.LBB2_2:
0x16: {  	p0 =	sne.s32 s13, $0x9FC0  }
.Ltmp0:
0x17: {  	_ = 	snop;
	(pc) =	sbr.rel @p0 .LBB2_2-.Ltmp0, $3  }
0x18: {  	_ =	sdelay $0x1  }
0x19: {  	s14 =	sshra.s32 s13, $0x2  }
0x1a: {  	s13 =	sadd.s32 $0x40, s13;
	[tilespmem:s14+$0x7800] =	vst v0  }
0x1b: {  	s13 =	simm.s32 $0x0  }
.LBB2_4:
0x1c: {  	s14 =	sshra.s32 s13, $0x2  }
0x1d: {  	v1 =	vld [tilespmem:s14+$0x0];
	_ =	sdelay $0x4  }
0x1e: {  	v2 =	vld [tilespmem:s14+$0x2800];
	_ =	sdelay $0x2  }
0x1f: {  	v1 =	vld.idx.msk [tilespmem:v1+s10+$0x0], $0xffff;
	_ =	sdelay $0x4  }
0x20: {  	[tilespmem:v2+s11+$0x0] =	vst.idx.add.f32.msk $0xffff, v1  }
0x21: {  	v1 =	vld [tilespmem:s14+$0x10];
	_ =	sdelay $0x4  }
0x22: {  	v2 =	vld [tilespmem:s14+$0x2810];
	_ =	sdelay $0x2  }
0x23: {  	v1 =	vld.idx.msk [tilespmem:v1+s10+$0x0], $0xffff;
	_ =	sdelay $0x4  }
0x24: {  	[tilespmem:v2+s11+$0x0] =	vst.idx.add.f32.msk $0xffff, v1  }
0x25: {  	v1 =	vld [tilespmem:s14+$0x20];
	_ =	sdelay $0x4  }
0x26: {  	v2 =	vld [tilespmem:s14+$0x2820];
	_ =	sdelay $0x2  }
0x27: {  	v1 =	vld.idx.msk [tilespmem:v1+s10+$0x0], $0xffff;
	_ =	sdelay $0x4  }
0x28: {  	[tilespmem:v2+s11+$0x0] =	vst.idx.add.f32.msk $0xffff, v1  }
0x29: {  	v1 =	vld [tilespmem:s14+$0x30];
	_ =	sdelay $0x4  }
0x2a: {  	v2 =	vld [tilespmem:s14+$0x2830];
	_ =	sdelay $0x2  }
0x2b: {  	v1 =	vld.idx.msk [tilespmem:v1+s10+$0x0], $0xffff;
	_ =	sdelay $0x4  }
0x2c: {  	[tilespmem:v2+s11+$0x0] =	vst.idx.add.f32.msk $0xffff, v1  }
0x2d: {  	v1 =	vld [tilespmem:s14+$0x40];
	_ =	sdelay $0x4  }
0x2e: {  	v2 =	vld [tilespmem:s14+$0x2840];
	_ =	sdelay $0x2  }
0x2f: {  	v1 =	vld.idx.msk [tilespmem:v1+s10+$0x0], $0xffff;
	_ =	sdelay $0x4  }
0x30: {  	[tilespmem:v2+s11+$0x0] =	vst.idx.add.f32.msk $0xffff, v1  }
0x31: {  	v1 =	vld [tilespmem:s14+$0x50];
	_ =	sdelay $0x4  }
0x32: {  	v2 =	vld [tilespmem:s14+$0x2850];
	_ =	sdelay $0x2  }
0x33: {  	v1 =	vld.idx.msk [tilespmem:v1+s10+$0x0], $0xffff;
	_ =	sdelay $0x4  }
0x34: {  	[tilespmem:v2+s11+$0x0] =	vst.idx.add.f32.msk $0xffff, v1  }
0x35: {  	v1 =	vld [tilespmem:s14+$0x60];
	_ =	sdelay $0x4  }
0x36: {  	v2 =	vld [tilespmem:s14+$0x2860];
	_ =	sdelay $0x2  }
0x37: {  	v1 =	vld.idx.msk [tilespmem:v1+s10+$0x0], $0xffff;
	_ =	sdelay $0x4  }
0x38: {  	[tilespmem:v2+s11+$0x0] =	vst.idx.add.f32.msk $0xffff, v1  }
0x39: {  	v1 =	vld [tilespmem:s14+$0x70];
	_ =	sdelay $0x4  }
0x3a: {  	v2 =	vld [tilespmem:s14+$0x2870];
	_ =	sdelay $0x2  }
0x3b: {  	p0 =	sne.s32 s13, $0x9E00;
	v1 =	vld.idx.msk [tilespmem:v1+s10+$0x0], $0xffff  }
.Ltmp1:
0x3c: {  	_ = 	snop;
	(pc) =	sbr.rel @p0 .LBB2_4-.Ltmp1, $2  }
0x3d: {  	_ =	sdelay $0x2  }
0x3e: {  	s13 =	sadd.s32 $0x200, s13;
	[tilespmem:v2+s11+$0x0] =	vst.idx.add.f32.msk $0xffff, v1  }
0x3f: {  	s12 =	sadd.s32 $0x1, s12  }
0x40: {  	p0 =	sne.s32 s12, s7  }
.Ltmp2:
0x41: {  	_ = 	snop;
	(pc) =	sbr.rel @p0 .LBB2_1-.Ltmp2, $4  }
0x42: {  	[hbm4b:s6+s2] =	stream.linear.scatter [tilespmem:s11], [sflag:$0x1], $0x2800, $0x38;
	[tilespmem:$0xA000] =	vst v63  }
0x43: {  	_ =	swait.ge [sflag:s8], $0x2800  }
0x44: {  	[sflag:s8] =	ssyncset.done $0x0  }
0x45: {  	[sflag:s8] =	ssyncadd.s32 $0xFFFFD800  }
0x46: {  	_ =	sfence.sel $0x180000  }
0x47: {  	[bflag:$0x0] =	sbarrier.arrive $0xFFFF  }
0x48: {  	p0 =	sne.s32 s1, $0x0;
	_ =	strace $0x9000004A  }
0x49: {  	s0 =	sadd.s32 @!p0 $0x100000, s0;
	[bflag:$0x2] =	sbarrier.arrive $0xFFFF  }
0x4a: {  	[sflag:s0] =	ssyncadd.tile.s32 @!p0 $0x1;
	_ =	shalt  }
.Lfunc_end2:
_tile_overlayer_lowered:
.L_overlay_start_2:
0x4b: {  	(tag) =	ssettag $0x2  }
0x4c: {  	s0 =	rddreg [dreg:$0x0];
	s2 =	stileid.u32  }
0x4d: {  	s1 =	rddreg [dreg:$0x1];
	p0 =	sne.s32 s2, $0x0  }
0x4e: {  	s3 =	rddreg [dreg:$0x2];
	[bflag:$0x3] =	sbarrier.arrive $0xFFFF;
	s2 =	simm.s32 @!p0 $0x1C01  }
0x4f: {  	[timem:s3], [sflag:s2] =	dma.local @!p0 [hbm:s0], s1  }
0x50: {  	s0 =	simm.s32 @!p0 $0x1  }
0x51: {  	_ =	swait.ge @!p0 [sflag:s0], s1  }
0x52: {  	s1 =	ssub.s32 @!p0 $0x0, s1;
	[sflag:s0] =	ssyncset.done @!p0 $0x0  }
0x53: {  	[sflag:s0] =	ssyncadd.s32 @!p0 s1  }
0x54: {  	[bflag:$0x3] =	sbarrier.arrive $0xFFFF  }
0x55: {  	_ =	shalt  }

// kernel: kernel.7.cloned.1.call-start
scs
__scs_entry_jumppad:
0x0: {  	(pc) =	sbr.rel $0x88, $3  }
0x1: {  	(tag) =	ssettag $0x0;
	lr =	simm.s32 $0x1  }
0x2: {  	[smem:$0x3F9D] =	sst lr;
	_ =	strace $0xD0000000  }
0x3: {  	_ = 	snop  }
0x4: {  	_ = 	snop  }
0x5: {  	_ = 	snop  }
0x6: {  	_ = 	snop  }
0x7: {  	_ = 	snop  }
__scs_overlays_trampoline_lowered:
0x8: {  	[smem:$0x3FAC] =	sst s0  }
0x9: {  	[smem:$0x3FAD] =	sst s1  }
0xa: {  	[smem:$0x3FAE] =	sst s2  }
0xb: {  	[smem:$0x3FAF] =	sst s3  }
0xc: {  	[smem:$0x3FB0] =	sst s4  }
0xd: {  	[smem:$0x3FB1] =	sst s5  }
0xe: {  	[smem:$0x3FB2] =	sst s6  }
0xf: {  	[smem:$0x3FB3] =	sst s7  }
0x10: {  	[smem:$0x3FB4] =	sst s8  }
0x11: {  	[smem:$0x3FB5] =	sst s9;
	s0 =	simm.s32 @!p0 $0x0  }
0x12: {  	s1 =	sld [smem:$0x3F9B];
	s0 =	simm.s32 @p0 $0x1  }
0x13: {  	[smem:$0x3FB6] =	sst s0;
	s0 =	simm.s32 @!p1 $0x0  }
0x14: {  	s2 =	sld [smem:$0x3F9A];
	s0 =	simm.s32 @p1 $0x1  }
0x15: {  	[smem:$0x3FB7] =	sst s0;
	s0 =	simm.s32 @!p2 $0x0  }
0x16: {  	s3 =	sld [smem:$0x3FDB];
	s0 =	simm.s32 @p2 $0x1  }
0x17: {  	s4 =	simm.s32 $0x1BF5;
	[smem:$0x3FB9] =	sst s0  }
0x18: {  	s0 =	sld [smem:$0x3F9C];
	_ =	swait.ge [sflag:s4], $0x0  }
0x19: {  	s7 =	sld [smem:$0x3F9D]  }
0x1a: {  	s8 =	sadd.s32 $0xFFFFE003, lr  }
0x1b: {  	s9 =	sadd.s32 $0xFFFFFEF7, lr;
	s5 =	simm.s32 $0xFFFFFFFF;
	p2 =	slt.u32 s8, $0xFFFFF086  }
0x1c: {  	p1 =	slt.u32 s9, $0xF7A;
	s5 =	simm.s32 @!p2 $0x0  }
0x1d: {  	s5 =	simm.s32 @p1 $0x1;
	p0 =	seq.s32 s7, s2  }
0x1e: {  	s7 =	smul.u32 @!p0 $0xF7A, s2;
	p2 =	seq.s32 @!p0 s5, $0x0  }
0x1f: {  	s9 =	smul.u32 $0xF7A, s1;
	s8 =	simm.s32 @!p0 $0x1BF5;
	p2 =	por !p2, p0  }
0x20: {  	[sflag:s8] =	ssyncset.s32 @!p0 $0xFFFFF086;
	s6 =	sadd.s32 @!p0 s3, s7;
	s7 =	simm.s32 @!p0 $0x108  }
0x21: {  	s3 =	sadd.s32 s3, s9;
	s6 =	sadd.s32 @!p0 $0x88, s6;
	s7 =	simm.s32 @p2 $0x1082  }
0x22: {  	[simem:s7], [sflag:s8] =	dma.local @!p0 [hbm:s6], $0xF7A  }
0x23: {  	s9 =	sor.u32 $0xD0000000, s2;
	s6 =	simm.s32 $0x108;
	_ =	swait.ge @!p0 [sflag:s8], $0x0  }
0x24: {  	s3 =	sadd.s32 $0x88, s3;
	s6 =	simm.s32 @!p1 $0x1082;
	[sflag:s4] =	ssyncset.s32 $0xFFFFF086  }
0x25: {  	[simem:s6], [sflag:s4] =	dma.local [hbm:s3], $0xF7A  }
0x26: {  	[smem:$0x3F9D] =	sst s1;
	(tag) =	ssettag s2;
	_ =	strace s9  }
0x27: {  	s1 =	sld [smem:$0x3FAD]  }
0x28: {  	s2 =	sld [smem:$0x3FAE]  }
0x29: {  	s4 =	sld [smem:$0x3FB0]  }
0x2a: {  	p0 =	seq.s32 s5, $0x0;
	s5 =	sld [smem:$0x3FB1]  }
0x2b: {  	s6 =	sld [smem:$0x3FB2]  }
0x2c: {  	s7 =	sld [smem:$0x3FB3]  }
0x2d: {  	s3 =	simm.s32 $0x108;
	s8 =	sld [smem:$0x3FB4]  }
0x2e: {  	s3 =	simm.s32 @!p0 $0x1082;
	s9 =	sld [smem:$0x3FB5]  }
0x2f: {  	lr =	sadd.s32 s0, s3;
	s0 =	sld [smem:$0x3FAC]  }
0x30: {  	s3 =	sld [smem:$0x3FAF]  }
0x31: {  	[smem:$0x3FB8] =	sst s10  }
0x32: {  	s10 =	sld [smem:$0x3FB6];
	_ =	sdelay $0x3  }
0x33: {  	p0 =	seq.s32 s10, $0x1;
	s10 =	sld [smem:$0x3FB8];
	_ =	sdelay $0x3  }
0x34: {  	[smem:$0x3FB8] =	sst s10  }
0x35: {  	s10 =	sld [smem:$0x3FB7];
	_ =	sdelay $0x3  }
0x36: {  	p1 =	seq.s32 s10, $0x1;
	s10 =	sld [smem:$0x3FB8];
	_ =	sdelay $0x3  }
0x37: {  	[smem:$0x3FB8] =	sst s10  }
0x38: {  	s10 =	sld [smem:$0x3FB9]  }
0x39: {  	_ = 	snop;
	(pc) =	sbr.ind lr, $3  }
0x3a: {  	_ = 	snop  }
0x3b: {  	_ = 	snop  }
0x3c: {  	p2 =	seq.s32 s10, $0x1;
	s10 =	sld [smem:$0x3FB8]  }
0x3d: {  	_ =	shalt  }
0x3e: {  	_ =	shalt  }
0x3f: {  	_ =	shalt  }
0x40: {  	_ =	shalt  }
0x41: {  	_ =	shalt  }
0x42: {  	_ =	shalt  }
0x43: {  	_ =	shalt  }
0x44: {  	_ =	shalt  }
0x45: {  	_ =	shalt  }
0x46: {  	_ =	shalt  }
0x47: {  	_ =	shalt  }
0x48: {  	_ =	shalt  }
0x49: {  	_ =	shalt  }
0x4a: {  	_ =	shalt  }
0x4b: {  	_ =	shalt  }
0x4c: {  	_ =	shalt  }
0x4d: {  	_ =	shalt  }
0x4e: {  	_ =	shalt  }
0x4f: {  	_ =	shalt  }
0x50: {  	_ =	shalt  }
0x51: {  	_ =	shalt  }
0x52: {  	_ =	shalt  }
0x53: {  	_ =	shalt  }
0x54: {  	_ =	shalt  }
0x55: {  	_ =	shalt  }
0x56: {  	_ =	shalt  }
0x57: {  	_ =	shalt  }
0x58: {  	_ =	shalt  }
0x59: {  	_ =	shalt  }
0x5a: {  	_ =	shalt  }
0x5b: {  	_ =	shalt  }
0x5c: {  	_ =	shalt  }
0x5d: {  	_ =	shalt  }
0x5e: {  	_ =	shalt  }
0x5f: {  	_ =	shalt  }
0x60: {  	_ =	shalt  }
0x61: {  	_ =	shalt  }
0x62: {  	_ =	shalt  }
0x63: {  	_ =	shalt  }
0x64: {  	_ =	shalt  }
0x65: {  	_ =	shalt  }
0x66: {  	_ =	shalt  }
0x67: {  	_ =	shalt  }
0x68: {  	_ =	shalt  }
0x69: {  	_ =	shalt  }
0x6a: {  	_ =	shalt  }
0x6b: {  	_ =	shalt  }
0x6c: {  	_ =	shalt  }
0x6d: {  	_ =	shalt  }
0x6e: {  	_ =	shalt  }
0x6f: {  	_ =	shalt  }
0x70: {  	_ =	shalt  }
0x71: {  	_ =	shalt  }
0x72: {  	_ =	shalt  }
0x73: {  	_ =	shalt  }
0x74: {  	_ =	shalt  }
0x75: {  	_ =	shalt  }
0x76: {  	_ =	shalt  }
0x77: {  	_ =	shalt  }
0x78: {  	_ =	shalt  }
0x79: {  	_ =	shalt  }
0x7a: {  	_ =	shalt  }
0x7b: {  	_ =	shalt  }
0x7c: {  	_ =	shalt  }
0x7d: {  	_ =	shalt  }
0x7e: {  	_ =	shalt  }
0x7f: {  	_ =	shalt  }
0x80: {  	_ =	shalt  }
0x81: {  	_ =	shalt  }
0x82: {  	_ =	shalt  }
0x83: {  	_ =	shalt  }
0x84: {  	_ =	shalt  }
0x85: {  	_ =	shalt  }
0x86: {  	_ =	shalt  }
0x87: {  	_ =	shalt  }
.Lfunc_end0:
.L_simem_size_0:
called_computation_lowered:
.L_overlay_start_0:
0x88: {  	s2 =	sld [smem:$0x3FD9]  }
0x89: {  	s3 =	sld [smem:$0x3FFE];
	_ =	sdelay $0x1  }
0x8a: {  	s1 =	srdreg.scid  }
0x8b: {  	s0 =	sand.u32 $0x1, s1  }
0x8c: {  	s16 =	sshll.u32 s0, $0xA;
	s2 =	sadd.s32 s3, s2  }
0x8d: {  	s2 =	sadd.s32 s2, s16  }
0x8e: {  	[smem:$0x3FC4] =	sst s2  }
0x8f: {  	_ = 	snop  }
0x90: {  	(tm) =	ssettm $0x1  }
0x91: {  	s17 =	sld [smem:$0x3FFB];
	_ =	sdelay $0x3  }
0x92: {  	_ =	strace s17  }
0x93: {  	s2 =	sld [smem:$0x3FFC];
	_ =	sdelay $0x3  }
0x94: {  	_ =	strace s2  }
0x95: {  	s2 =	sld [smem:$0x3FFD];
	_ =	sdelay $0x3  }
0x96: {  	_ =	strace s2  }
0x97: {  	_ =	strace $0x8FFFFFFF  }
0x98: {  	s18 =	sld [smem:$0x3FDB];
	_ =	sdelay $0x1  }
0x99: {  	s19 =	simm.s32 $_scs_section_size  }
0x9a: {  	s4 =	simm.s32 $_size__tile_overlayer_lowered;
	s5 =	simm.s32 $_tile_overlayer_lowered  }
0x9b: {  	s22 =	simm.s32 $0x1BFF;
	s21 =	sshll.u32 s5, $0x1;
	s2 =	sadd.s32 s19, s18  }
0x9c: {  	s6 =	simm.s32 $0x0;
	s20 =	sshll.u32 s4, $0x1;
	s4 =	sadd.s32 s21, s2  }
0x9d: {  	[timem:s6], [sflag:s22] =	dma.local [hbm:s4], s20  }
0x9e: {  	_ =	swait.ge [sflag:s22], s20  }
0x9f: {  	s3 =	ssub.s32 $0x0, s20;
	[sflag:s22] =	ssyncset.done $0x0  }
0xa0: {  	[sflag:s22] =	ssyncadd.s32 s3;
	_ =	sdelay $0x1  }
0xa1: {  	s23 =	simm.s32 $0x1B8B  }
0xa2: {  	_ =	swait.ge [sflag:s23], $0x1  }
0xa3: {  	[sflag:s23] =	ssyncset.done $0x0  }
0xa4: {  	s25 =	simm.s32 $0x1B8E;
	s24 =	sld [smem:$0x3FFE];
	[sflag:s23] =	ssyncadd.s32 $0xFFFFFFFF  }
0xa5: {  	s26 =	simm.s32 $execute0_lowered;
	[smem:$0x3FD2] =	sst s25  }
0xa6: {  	s4 =	sshll.u32 s26, $0x1;
	_ =	strace $0x80000046;
	[dreg:$0x1] =	wrdreg $0xFFFFFFFF  }
0xa7: {  	s28 =	simm.s32 $_size_execute0_lowered;
	s2 =	sadd.s32 s2, s4;
	[dreg:$0x0] =	wrdreg $0x0  }
0xa8: {  	s4 =	sshll.u32 s28, $0x1;
	[dreg:$0x2] =	wrdreg s2  }
0xa9: {  	[dreg:$0x3] =	wrdreg s4  }
0xaa: {  	[dreg:$0x4] =	wrdreg $0xC0  }
0xab: {  	_ =	task [dreg:s6], $0x5FFFF  }
0xac: {  	[dreg:$0x1] =	wrdreg $0xFFFFFFFF  }
0xad: {  	[dreg:$0x0] =	wrdreg $0x60  }
0xae: {  	[dreg:$0x2] =	wrdreg s24  }
0xaf: {  	[dreg:$0x3] =	wrdreg $0x9  }
0xb0: {  	_ =	task.clear_ibuf [dreg:s6], $0x4FFFF;
	_ =	strace $0x90000046  }
0xb1: {  	s29 =	simm.s32 $0x9;
	_ =	strace $0x80000048  }
0xb2: {  	_ =	swait.ge [sflag:s29], $0x1  }
0xb3: {  	[sflag:s29] =	ssyncadd.s32 $0xFFFFFFFF  }
0xb4: {  	_ =	strace $0x90000048  }
0xb5: {  	_ =	sfence  }
0xb6: {  	s30 =	sld [smem:$0x0];
	_ =	sdelay $0x2  }
0xb7: {  	s31 =	sshll.u32 s1, $0xD;
	s1 =	sshrl.u32 s1, $0x2  }
0xb8: {  	s3 =	sand.u32 $0x4000, s31;
	s1 =	sadd.s32 s1, s30  }
0xb9: {  	s0 =	sor.u32 s3, s0;
	s1 =	sshll.u32 s1, $0x11  }
0xba: {  	s0 =	sor.u32 s1, s0  }
0xbb: {  	s0 =	sadd.s32 $0x8F2B, s0  }
0xbc: {  	[sflag:s0] =	ssyncadd.remote.s32 $0x1  }
0xbd: {  	_ =	sfence.sel $0xFFFF  }
0xbe: {  	[dreg:$0x0] =	wrdreg $0xFFFFFFFF;
	(pc) =	sbr.abs _section_cstart, $3  }
0xbf: {  	[dreg:$0x1] =	wrdreg $0xFFFFFFFF  }
0xc0: {  	_ =	task.clear_ibuf [dreg:s6], $0x2FFFF;
	_ =	strace $0x9FFFFFFF  }
0xc1: {  	(tm) =	ssettm $0x7FFFFFFF  }
tec
execute0_lowered:
.L_overlay_start_1:
0x0: {  	(tag) =	ssettag $0x1  }
0x1: {  	s0 =	srdreg.scid  }
0x2: {  	s4 =	rddreg [dreg:$0x0];
	s3 =	sand.u32 $0x1, s0  }
0x3: {  	s1 =	stileid.u32;
	s7 =	simm.s32 $0x2800;
	s2 =	sshll.u32 s3, $0x4  }
0x4: {  	s0 =	rddreg [dreg:$0x1];
	s3 =	ssub.s32 $0x2, s3;
	s5 =	sor.u32 s1, s2  }
0x5: {  	s2 =	simm.s32 $0x0;
	s6 =	sshrl.u32 s3, $0x1;
	s5 =	smul.u32 $0x500, s5  }
0x6: {  	s8 =	simm.s32 $0x0;
	[smem:$0x7FF] =	sst s2;
	s31 =	ssub.s32 s3, s6  }
0x7: {  	s6 =	simm.s32 $0x1;
	_ =	strace $0x80000047;
	s4 =	sadd.s32 s5, s4  }
0x8: {  	v0 =	vimm.f32 $0.0e+00;
	v1 =	vimm.f32 $1.000000000e+00;
	s5 =	smax.u32 s31, $0x1;
	s3 =	sadd.s32 $0x1200, s4;
	s4 =	sadd.s32 $0xB200, s4  }
.LBB2_1:
0x9: {  	[tilespmem:s2], [sflag:$0x1] =	stream.linear.gather [hbm4b:s3+s2], $0x2800, $0x38;
	[tilespmem:$0x5000] =	vst v63  }
0xa: {  	_ =	swait.ge [sflag:s6], $0x2800  }
0xb: {  	[sflag:s6] =	ssyncset.done $0x0  }
0xc: {  	s9 =	simm.s32 $0x0;
	[sflag:s6] =	ssyncadd.s32 $0xFFFFD800  }
.LBB2_2:
0xd: {  	p0 =	sne.s32 s9, $0x9FC0  }
.Ltmp0:
0xe: {  	_ = 	snop;
	(pc) =	sbr.rel @p0 .LBB2_2-.Ltmp0, $3  }
0xf: {  	_ =	sdelay $0x1  }
0x10: {  	s10 =	sshra.s32 s9, $0x2  }
0x11: {  	s9 =	sadd.s32 $0x40, s9;
	[tilespmem:s10+$0x2800] =	vst v0  }
0x12: {  	s9 =	simm.s32 $0x1C0  }
.LBB2_4:
0x13: {  	s10 =	sshra.s32 s9, $0x2  }
0x14: {  	v2 =	vld [tilespmem:s10+$0xFFFFFF90];
	_ =	sdelay $0x7  }
0x15: {  	[tilespmem:v2+s7+$0x0] =	vst.idx.add.f32.msk $0xffff, v1  }
0x16: {  	v2 =	vld [tilespmem:s10+$0xFFFFFFA0];
	_ =	sdelay $0x7  }
0x17: {  	[tilespmem:v2+s7+$0x0] =	vst.idx.add.f32.msk $0xffff, v1  }
0x18: {  	v2 =	vld [tilespmem:s10+$0xFFFFFFB0];
	_ =	sdelay $0x7  }
0x19: {  	[tilespmem:v2+s7+$0x0] =	vst.idx.add.f32.msk $0xffff, v1  }
0x1a: {  	v2 =	vld [tilespmem:s10+$0xFFFFFFC0];
	_ =	sdelay $0x7  }
0x1b: {  	[tilespmem:v2+s7+$0x0] =	vst.idx.add.f32.msk $0xffff, v1  }
0x1c: {  	v2 =	vld [tilespmem:s10+$0xFFFFFFD0];
	_ =	sdelay $0x7  }
0x1d: {  	[tilespmem:v2+s7+$0x0] =	vst.idx.add.f32.msk $0xffff, v1  }
0x1e: {  	v2 =	vld [tilespmem:s10+$0xFFFFFFE0];
	_ =	sdelay $0x7  }
0x1f: {  	[tilespmem:v2+s7+$0x0] =	vst.idx.add.f32.msk $0xffff, v1  }
0x20: {  	v2 =	vld [tilespmem:s10+$0xFFFFFFF0];
	_ =	sdelay $0x7  }
0x21: {  	[tilespmem:v2+s7+$0x0] =	vst.idx.add.f32.msk $0xffff, v1  }
0x22: {  	v2 =	vld [tilespmem:s10+$0x0];
	_ =	sdelay $0x2  }
0x23: {  	p0 =	sne.s32 s9, $0x9FC0  }
.Ltmp1:
0x24: {  	_ = 	snop;
	(pc) =	sbr.rel @p0 .LBB2_4-.Ltmp1, $2  }
0x25: {  	_ =	sdelay $0x2  }
0x26: {  	s9 =	sadd.s32 $0x200, s9;
	[tilespmem:v2+s7+$0x0] =	vst.idx.add.f32.msk $0xffff, v1  }
0x27: {  	s8 =	sadd.s32 $0x1, s8  }
0x28: {  	p0 =	sne.s32 s8, s5  }
.Ltmp2:
0x29: {  	_ = 	snop;
	(pc) =	sbr.rel @p0 .LBB2_1-.Ltmp2, $4  }
0x2a: {  	[hbm4b:s4+s2] =	stream.linear.scatter [tilespmem:s7], [sflag:$0x1], $0x2800, $0x38;
	[tilespmem:$0x5000] =	vst v63  }
0x2b: {  	_ =	swait.ge [sflag:s6], $0x2800  }
0x2c: {  	[sflag:s6] =	ssyncset.done $0x0  }
0x2d: {  	[sflag:s6] =	ssyncadd.s32 $0xFFFFD800  }
0x2e: {  	_ =	sfence.sel $0x180000  }
0x2f: {  	[bflag:$0x0] =	sbarrier.arrive $0xFFFF  }
0x30: {  	p0 =	sne.s32 s1, $0x0;
	_ =	strace $0x90000047  }
0x31: {  	s0 =	sadd.s32 @!p0 $0x100000, s0;
	[bflag:$0x2] =	sbarrier.arrive $0xFFFF  }
0x32: {  	[sflag:s0] =	ssyncadd.tile.s32 @!p0 $0x1;
	_ =	shalt  }
.Lfunc_end2:
_tile_overlayer_lowered:
.L_overlay_start_2:
0x33: {  	(tag) =	ssettag $0x2  }
0x34: {  	s0 =	rddreg [dreg:$0x0];
	s2 =	stileid.u32  }
0x35: {  	s1 =	rddreg [dreg:$0x1];
	p0 =	sne.s32 s2, $0x0  }
0x36: {  	s3 =	rddreg [dreg:$0x2];
	[bflag:$0x3] =	sbarrier.arrive $0xFFFF;
	s2 =	simm.s32 @!p0 $0x1C01  }
0x37: {  	[timem:s3], [sflag:s2] =	dma.local @!p0 [hbm:s0], s1  }
0x38: {  	s0 =	simm.s32 @!p0 $0x1  }
0x39: {  	_ =	swait.ge @!p0 [sflag:s0], s1  }
0x3a: {  	s1 =	ssub.s32 @!p0 $0x0, s1;
	[sflag:s0] =	ssyncset.done @!p0 $0x0  }
0x3b: {  	[sflag:s0] =	ssyncadd.s32 @!p0 s1  }
0x3c: {  	[bflag:$0x3] =	sbarrier.arrive $0xFFFF  }
0x3d: {  	_ =	shalt  }

</sc_bundles>
